<compile_context>
chip_gen: v7x
topology: tpu7x:2x2x1
jax: 0.10.2.dev20260603
libtpu: 0.0.44.dev20260713+nightly
codegen_flags: <defaults>
</compile_context>

<pallas_src>
import functools

import jax
import jax.numpy as jnp
from jax import lax
from jax.experimental import pallas as pl
from jax.experimental.pallas import tpu as pltpu
from jax.experimental.pallas import tpu_sc as plsc

N = 10000
E = 320000
D = 128

NC = 2
NS = 16
NW = NC * NS

C2 = 224
NG = -(-E // (NW * C2))
E_PAD = NW * NG * C2
SLAB_CH = 9
SLAB_E = SLAB_CH * C2
A0 = 6
A1 = 4
SLABS = NS * (A0 + A1)
RPT = -(-(N + 1) // (NS * 8)) * 8
NP = NS * RPT
DUMMY = N



def _zero_buf(buf, rows, cols):
  zeros = jnp.zeros((16,), jnp.float32)

  def body(r, carry):
    for k in range(cols // 16):
      buf[r, pl.ds(k * 16, 16)] = zeros
    return carry

  lax.fori_loop(0, rows, body, 0)


@functools.lru_cache(maxsize=None)
def _make_sc_kernels():
  _mesh = plsc.VectorSubcoreMesh(core_axis_name="c", subcore_axis_name="s")

  E_W = NG * C2

  def deg_body(src_hbm, out_hbm, src_v, histo):
    c = lax.axis_index("c")
    s = lax.axis_index("s")
    w = c * NS + s
    pltpu.sync_copy(src_hbm.at[w], src_v)
    zeros = jnp.zeros((16,), jnp.float32)

    def zrow(r, carry):
      histo[pl.ds(r * 16, 16)] = zeros
      return carry

    lax.fori_loop(0, NP // 16, zrow, 0)
    ones = jnp.full((16,), 1.0, jnp.float32)

    def body(j, carry):
      idx = src_v[pl.ds(j * 16, 16)]
      plsc.addupdate_scatter(histo, [idx], ones)
      return carry

    lax.fori_loop(0, E_W // 16, body, 0)
    pltpu.sync_copy(histo, out_hbm.at[c, s])

  deg_kernel = pl.kernel(
      deg_body,
      out_type=jax.ShapeDtypeStruct((NC, NS, NP), jnp.float32),
      mesh=_mesh,
      compiler_params=pltpu.CompilerParams(needs_layout_passes=False),
      scratch_types=[
          pltpu.VMEM((E_W,), jnp.int32),
          pltpu.VMEM((NP,), jnp.float32),
      ],
  )

  def agg_body(y_hbm, src_hbm, dstp_hbm, out_hbm, src_v, dstp_v,
               buf, acc_sh, g0):
    c = lax.axis_index("c")
    s = lax.axis_index("s")
    _zero_buf(buf, C2, D)
    base = s * RPT
    nfull = RPT // 128
    for j in range(nfull):
      pltpu.sync_copy(buf.at[pl.ds(0, 128)],
                      acc_sh.at[pl.ds(base + j * 128, 128)])
    rem = RPT - nfull * 128
    if rem:
      pltpu.sync_copy(buf.at[pl.ds(0, rem)],
                      acc_sh.at[pl.ds(base + nfull * 128, rem)])
    plsc.subcore_barrier()

    base_c = c * (NS * A0)
    a_c = jnp.where(c == 0, A0, A1)

    def slab_loop(k, carry):
      sid = base_c + k * NS + s
      pltpu.sync_copy(src_hbm.at[sid], src_v)
      pltpu.sync_copy(dstp_hbm.at[sid], dstp_v)

      def body(g, carry2):
        pltpu.async_copy(y_hbm.at[src_v.at[pl.ds(g * C2, C2)]], buf,
                         g0).wait()
        pltpu.sync_copy(buf, acc_sh.at[dstp_v.at[pl.ds(g * C2, C2)]],
                        add=True)
        return carry2

      lax.fori_loop(0, SLAB_CH, body, 0)
      return carry

    lax.fori_loop(0, a_c, slab_loop, 0)
    plsc.subcore_barrier()
    pltpu.sync_copy(acc_sh.at[pl.ds(base, RPT)], out_hbm.at[c, s])

  agg_kernel = pl.kernel(
      agg_body,
      out_type=jax.ShapeDtypeStruct((NC, NS, RPT, D), jnp.float32),
      mesh=_mesh,
      scratch_types=[
          pltpu.VMEM((SLAB_E,), jnp.int32),
          pltpu.VMEM((SLAB_E,), jnp.int32),
          pltpu.VMEM((C2, D), jnp.float32),
          pltpu.VMEM_SHARED((NP, D), jnp.float32),
          pltpu.SemaphoreType.DMA,
      ],
  )
  return deg_kernel, agg_kernel



R = 1000


def _tc_prep_body(degp_ref, x_ref, dis_ref, y_ref):
  p = degp_ref[...]
  deg = jnp.sum(p, axis=0)
  dis = jnp.where(deg > 0, lax.rsqrt(jnp.maximum(deg, 1e-12)), 0.0)
  disb = jnp.broadcast_to(dis, (R, D))
  dis_ref[...] = disb
  y_ref[...] = disb * x_ref[...]


def _tc_prep(degp, x):
  return pl.pallas_call(
      _tc_prep_body,
      grid=(N // R,),
      in_specs=[
          pl.BlockSpec((NW, R, 1), lambda i: (0, i, 0)),
          pl.BlockSpec((R, D), lambda i: (i, 0)),
      ],
      out_specs=[
          pl.BlockSpec((R, D), lambda i: (i, 0)),
          pl.BlockSpec((R, D), lambda i: (i, 0)),
      ],
      out_shape=[
          jax.ShapeDtypeStruct((N, D), jnp.float32),
          jax.ShapeDtypeStruct((N, D), jnp.float32),
      ],
  )(degp, x)


def _tc_layer_a_body(x_ref, s0_ref, s1_ref, dis_ref, w0_ref, w1_ref, ba_ref,
                     g_ref, b_ref, h2_ref, y2_ref):
  x = x_ref[...]
  dis = dis_ref[...]
  tx1 = -dis * (s0_ref[...] + s1_ref[...])
  h = (jnp.dot(x, w0_ref[...], preferred_element_type=jnp.float32)
       + jnp.dot(tx1, w1_ref[...], preferred_element_type=jnp.float32)
       + ba_ref[...])
  mu = jnp.mean(h, axis=-1, keepdims=True)
  var = jnp.mean((h - mu) * (h - mu), axis=-1, keepdims=True)
  hn = (h - mu) / jnp.sqrt(var + 1e-5) * g_ref[...] + b_ref[...]
  h2 = jnp.where(hn >= 0, hn, 0.01 * hn)
  h2_ref[...] = h2
  y2_ref[...] = dis * h2


def _tc_layer_a(x, s0, s1, dis, w0, w1, ba, gamma, beta):
  row = lambda i: (i, 0)
  full = lambda i: (0, 0)
  return pl.pallas_call(
      _tc_layer_a_body,
      grid=(N // R,),
      in_specs=[
          pl.BlockSpec((R, D), row),
          pl.BlockSpec((R, D), row),
          pl.BlockSpec((R, D), row),
          pl.BlockSpec((R, D), row),
          pl.BlockSpec((D, D), full),
          pl.BlockSpec((D, D), full),
          pl.BlockSpec((1, D), full),
          pl.BlockSpec((1, D), full),
          pl.BlockSpec((1, D), full),
      ],
      out_specs=[
          pl.BlockSpec((R, D), row),
          pl.BlockSpec((R, D), row),
      ],
      out_shape=[
          jax.ShapeDtypeStruct((N, D), jnp.float32),
          jax.ShapeDtypeStruct((N, D), jnp.float32),
      ],
  )(x, s0, s1, dis, w0, w1, ba.reshape(1, D), gamma.reshape(1, D),
    beta.reshape(1, D))


def _tc_layer_b_body(h_ref, s0_ref, s1_ref, dis_ref, w0_ref, w1_ref, bb_ref,
                     out_ref):
  h = h_ref[...]
  tx1 = -dis_ref[...] * (s0_ref[...] + s1_ref[...])
  out_ref[...] = (jnp.dot(h, w0_ref[...], preferred_element_type=jnp.float32)
                  + jnp.dot(tx1, w1_ref[...], preferred_element_type=jnp.float32)
                  + bb_ref[...])


def _tc_layer_b(h, s0, s1, dis, w0, w1, bb):
  row = lambda i: (i, 0)
  full = lambda i: (0, 0)
  return pl.pallas_call(
      _tc_layer_b_body,
      grid=(N // R,),
      in_specs=[
          pl.BlockSpec((R, D), row),
          pl.BlockSpec((R, D), row),
          pl.BlockSpec((R, D), row),
          pl.BlockSpec((R, D), row),
          pl.BlockSpec((D, D), full),
          pl.BlockSpec((D, D), full),
          pl.BlockSpec((1, D), full),
      ],
      out_specs=pl.BlockSpec((R, D), row),
      out_shape=jax.ShapeDtypeStruct((N, D), jnp.float32),
  )(h, s0, s1, dis, w0, w1, bb.reshape(1, D))


def kernel(x, edge_index, W0a, W1a, ba, gamma, beta, W0b, W1b, bb):
  src = edge_index[0]
  dst = edge_index[1]
  pad = E_PAD - E
  src_p = jnp.concatenate([src, jnp.zeros((pad,), jnp.int32)]).reshape(
      SLABS, SLAB_E)
  dst_p = jnp.concatenate([dst, jnp.full((pad,), DUMMY, jnp.int32)]).reshape(
      SLABS, SLAB_E)
  src_deg = jnp.concatenate([src, jnp.full((pad,), DUMMY, jnp.int32)]).reshape(
      NW, NG * C2)
  _sc_deg, _sc_agg = _make_sc_kernels()

  degp = _sc_deg(src_deg).reshape(NW, NP)[:, :N].reshape(NW, N, 1)
  dis, y = _tc_prep(degp, x)

  sp = _sc_agg(y, src_p, dst_p).reshape(NC, NP, D)
  h2, y2 = _tc_layer_a(x, sp[0, :N], sp[1, :N], dis, W0a, W1a, ba, gamma,
                       beta)

  sp2 = _sc_agg(y2, src_p, dst_p).reshape(NC, NP, D)
  return _tc_layer_b(h2, sp2[0, :N], sp2[1, :N], dis, W0b, W1b, bb)

# --- scband reference (transcript-rebuilt; emitter-appended) ---
"""Pipeline reference for scband-cheb-encoder-4853313045127 (READ-ONLY COPY).

The authoritative reference and input builder live on the scoring server;
editing this copy changes nothing except your own understanding.
"""

import jax, jax.numpy as jnp
import numpy as np

N = 10000
E = 320000
D = 128

def setup_inputs(seed: int = 0) -> dict:
    key = jax.random.key(seed)
    ks = jax.random.split(key, 12)
    x = jax.random.normal(ks[0], (N, D), dtype=jnp.float32)
    edge_index = jax.random.randint(ks[1], (2, E), 0, N, dtype=jnp.int32)
    s = 1.0 / np.sqrt(D)
    W0a = jax.random.normal(ks[2], (D, D), dtype=jnp.float32) * s
    W1a = jax.random.normal(ks[3], (D, D), dtype=jnp.float32) * s
    ba = jnp.zeros((D,), dtype=jnp.float32)
    gamma = jnp.ones((D,), dtype=jnp.float32)
    beta = jnp.zeros((D,), dtype=jnp.float32)
    W0b = jax.random.normal(ks[4], (D, D), dtype=jnp.float32) * s
    W1b = jax.random.normal(ks[5], (D, D), dtype=jnp.float32) * s
    bb = jnp.zeros((D,), dtype=jnp.float32)
    return {"x": x, "edge_index": edge_index, "W0a": W0a, "W1a": W1a, "ba": ba,
            "gamma": gamma, "beta": beta, "W0b": W0b, "W1b": W1b, "bb": bb}


def _cheb_conv(x, edge_index, W0, W1, b):
    # ChebConv with K=2, sym normalization, lambda_max=2.0 (PyG default):
    #   L_hat = L - I = -D^{-1/2} A D^{-1/2}  (diagonal +1 from Laplacian cancels with
    #   the fill_value=-1 self-loops added in ChebConv.__norm__)
    #   out = x @ W0 + (L_hat @ x) @ W1 + b
    src = edge_index[0]
    dst = edge_index[1]
    n = x.shape[0]
    deg = jax.ops.segment_sum(jnp.ones(src.shape[0], dtype=x.dtype), src, num_segments=n)
    deg_inv_sqrt = jnp.where(deg > 0, jax.lax.rsqrt(jnp.maximum(deg, 1e-12)), 0.0)
    w = -deg_inv_sqrt[src] * deg_inv_sqrt[dst]
    msg = w[:, None] * jnp.take(x, src, axis=0)
    Tx1 = jax.ops.segment_sum(msg, dst, num_segments=n)
    return x @ W0 + Tx1 @ W1 + b


def _layer_norm(h, gamma, beta, eps=1e-5):
    mu = jnp.mean(h, axis=-1, keepdims=True)
    var = jnp.var(h, axis=-1, keepdims=True)
    return (h - mu) / jnp.sqrt(var + eps) * gamma + beta


def reference(x, edge_index, W0a, W1a, ba, gamma, beta, W0b, W1b, bb):
    h = _cheb_conv(x, edge_index, W0a, W1a, ba)
    h = _layer_norm(h, gamma, beta)
    h = jnp.where(h >= 0, h, 0.01 * h)  # LeakyReLU(0.01)
    out = _cheb_conv(h, edge_index, W0b, W1b, bb)
    return out

if __name__ == "__main__":
    import jax
    _d = setup_inputs()
    print(jax.jit(kernel)(*tuple(_d.values())))

</pallas_src>

<mosaic_0001>
#map = affine_map<(d0, d1) -> (0, 0)>
#map1 = affine_map<(d0, d1) -> (0, 0, 0, 0)>
module attributes {stable_mosaic.version = 14 : i64} {
  func.func @agg_body(%arg0: i32, %arg1: i32, %arg2: memref<10000x128xf32, #tpu.memory_space<hbm>>, %arg3: memref<160x2016xi32, #tpu.memory_space<hbm>>, %arg4: memref<160x2016xi32, #tpu.memory_space<hbm>>, %arg5: memref<2x16x632x128xf32, #tpu.memory_space<hbm>>, %arg6: memref<2016xi32, #tpu.memory_space<vmem>>, %arg7: memref<2016xi32, #tpu.memory_space<vmem>>, %arg8: memref<224x128xf32, #tpu.memory_space<vmem>>, %arg9: memref<10112x128xf32, #tpu.memory_space<vmem_shared>>, %arg10: memref<!tpu.dma_semaphore, #tpu.memory_space<semaphore_mem>>) attributes {dimension_semantics = [#tpu.dimension_semantics<core_parallel>, #tpu.dimension_semantics<subcore_parallel>], iteration_bounds = array<i64: 2, 16>, scalar_prefetch = 0 : i64, scratch_operands = 5 : i64, tpu.core_type = #tpu.core_type<sc_vector_subcore>, window_params = [{transform_indices = #map}, {transform_indices = #map}, {transform_indices = #map}, {transform_indices = #map1}]} {
    %broadcast_in_dim3A = arith.constant 0.000000e+00 : f32
    %broadcast_in_dim3A_0 = vector.broadcast %broadcast_in_dim3A : f32 to vector<16xf32>
    %scan3A = arith.constant 0 : i32
    %scan3A_1 = arith.constant 0 : i32
    %scan3A_2 = arith.constant 224 : i32
    %scan3A_3 = arith.addi %scan3A_1, %scan3A_2 : i32
    %scan3A_4 = arith.constant 1 : i32
    scf.for %scan3A_30 = %scan3A_1 to %scan3A_3 step %scan3A_4  : i32 {
      %swap3A = arith.index_cast %scan3A_30 : i32 to index
      %swap3A_31 = arith.constant 0 : index
      %swap3A_32 = tpu.vector_load %arg8[%swap3A, %swap3A_31] {strides = array<i32>} : memref<224x128xf32, #tpu.memory_space<vmem>>, vector<1x16xf32>,
      %swap3A_33 = vector.shape_cast %swap3A_32 : vector<1x16xf32> to vector<16xf32>
      %swap3A_34 = vector.shape_cast %broadcast_in_dim3A_0 : vector<16xf32> to vector<1x16xf32>
      tpu.vector_store %arg8[%swap3A, %swap3A_31], %swap3A_34 {strides = array<i32>} : memref<224x128xf32, #tpu.memory_space<vmem>>, vector<1x16xf32>,
      %swap3A_35 = arith.index_cast %scan3A_30 : i32 to index
      %swap3A_36 = arith.constant 16 : index
      %swap3A_37 = tpu.vector_load %arg8[%swap3A_35, %swap3A_36] {strides = array<i32>} : memref<224x128xf32, #tpu.memory_space<vmem>>, vector<1x16xf32>,
      %swap3A_38 = vector.shape_cast %swap3A_37 : vector<1x16xf32> to vector<16xf32>
      %swap3A_39 = vector.shape_cast %broadcast_in_dim3A_0 : vector<16xf32> to vector<1x16xf32>
      tpu.vector_store %arg8[%swap3A_35, %swap3A_36], %swap3A_39 {strides = array<i32>} : memref<224x128xf32, #tpu.memory_space<vmem>>, vector<1x16xf32>,
      %swap3A_40 = arith.index_cast %scan3A_30 : i32 to index
      %swap3A_41 = arith.constant 32 : index
      %swap3A_42 = tpu.vector_load %arg8[%swap3A_40, %swap3A_41] {strides = array<i32>} : memref<224x128xf32, #tpu.memory_space<vmem>>, vector<1x16xf32>,
      %swap3A_43 = vector.shape_cast %swap3A_42 : vector<1x16xf32> to vector<16xf32>
      %swap3A_44 = vector.shape_cast %broadcast_in_dim3A_0 : vector<16xf32> to vector<1x16xf32>
      tpu.vector_store %arg8[%swap3A_40, %swap3A_41], %swap3A_44 {strides = array<i32>} : memref<224x128xf32, #tpu.memory_space<vmem>>, vector<1x16xf32>,
      %swap3A_45 = arith.index_cast %scan3A_30 : i32 to index
      %swap3A_46 = arith.constant 48 : index
      %swap3A_47 = tpu.vector_load %arg8[%swap3A_45, %swap3A_46] {strides = array<i32>} : memref<224x128xf32, #tpu.memory_space<vmem>>, vector<1x16xf32>,
      %swap3A_48 = vector.shape_cast %swap3A_47 : vector<1x16xf32> to vector<16xf32>
      %swap3A_49 = vector.shape_cast %broadcast_in_dim3A_0 : vector<16xf32> to vector<1x16xf32>
      tpu.vector_store %arg8[%swap3A_45, %swap3A_46], %swap3A_49 {strides = array<i32>} : memref<224x128xf32, #tpu.memory_space<vmem>>, vector<1x16xf32>,
      %swap3A_50 = arith.index_cast %scan3A_30 : i32 to index
      %swap3A_51 = arith.constant 64 : index
      %swap3A_52 = tpu.vector_load %arg8[%swap3A_50, %swap3A_51] {strides = array<i32>} : memref<224x128xf32, #tpu.memory_space<vmem>>, vector<1x16xf32>,
      %swap3A_53 = vector.shape_cast %swap3A_52 : vector<1x16xf32> to vector<16xf32>
      %swap3A_54 = vector.shape_cast %broadcast_in_dim3A_0 : vector<16xf32> to vector<1x16xf32>
      tpu.vector_store %arg8[%swap3A_50, %swap3A_51], %swap3A_54 {strides = array<i32>} : memref<224x128xf32, #tpu.memory_space<vmem>>, vector<1x16xf32>,
      %swap3A_55 = arith.index_cast %scan3A_30 : i32 to index
      %swap3A_56 = arith.constant 80 : index
      %swap3A_57 = tpu.vector_load %arg8[%swap3A_55, %swap3A_56] {strides = array<i32>} : memref<224x128xf32, #tpu.memory_space<vmem>>, vector<1x16xf32>,
      %swap3A_58 = vector.shape_cast %swap3A_57 : vector<1x16xf32> to vector<16xf32>
      %swap3A_59 = vector.shape_cast %broadcast_in_dim3A_0 : vector<16xf32> to vector<1x16xf32>
      tpu.vector_store %arg8[%swap3A_55, %swap3A_56], %swap3A_59 {strides = array<i32>} : memref<224x128xf32, #tpu.memory_space<vmem>>, vector<1x16xf32>,
      %swap3A_60 = arith.index_cast %scan3A_30 : i32 to index
      %swap3A_61 = arith.constant 96 : index
      %swap3A_62 = tpu.vector_load %arg8[%swap3A_60, %swap3A_61] {strides = array<i32>} : memref<224x128xf32, #tpu.memory_space<vmem>>, vector<1x16xf32>,
      %swap3A_63 = vector.shape_cast %swap3A_62 : vector<1x16xf32> to vector<16xf32>
      %swap3A_64 = vector.shape_cast %broadcast_in_dim3A_0 : vector<16xf32> to vector<1x16xf32>
      tpu.vector_store %arg8[%swap3A_60, %swap3A_61], %swap3A_64 {strides = array<i32>} : memref<224x128xf32, #tpu.memory_space<vmem>>, vector<1x16xf32>,
      %swap3A_65 = arith.index_cast %scan3A_30 : i32 to index
      %swap3A_66 = arith.constant 112 : index
      %swap3A_67 = tpu.vector_load %arg8[%swap3A_65, %swap3A_66] {strides = array<i32>} : memref<224x128xf32, #tpu.memory_space<vmem>>, vector<1x16xf32>,
      %swap3A_68 = vector.shape_cast %swap3A_67 : vector<1x16xf32> to vector<16xf32>
      %swap3A_69 = vector.shape_cast %broadcast_in_dim3A_0 : vector<16xf32> to vector<1x16xf32>
      tpu.vector_store %arg8[%swap3A_65, %swap3A_66], %swap3A_69 {strides = array<i32>} : memref<224x128xf32, #tpu.memory_space<vmem>>, vector<1x16xf32>,
    }
    %scan3A_5 = arith.constant 224 : i32
    %mul3A = arith.constant 632 : i32
    %mul3A_6 = arith.muli %arg1, %mul3A : i32
    %add3A = arith.constant 0 : i32
    %add3A_7 = arith.addi %mul3A_6, %add3A : i32
    "tpu.region"() ({
      %run_scoped3A = tpu.sem_alloc : memref<!tpu.dma_semaphore, #tpu.memory_space<semaphore_mem>>
      %dma_start3A = arith.constant 0 : i32
      %dma_start3A_30 = arith.constant 0 : i32
      %dma_start3A_31 = tpu.memref_slice %arg8[%dma_start3A, %dma_start3A_30] : memref<224x128xf32, #tpu.memory_space<vmem>> -> memref<128x128xf32, #tpu.memory_space<vmem>>
      %dma_start3A_32 = arith.constant 0 : i32
      %dma_start3A_33 = tpu.memref_slice %arg9[%add3A_7, %dma_start3A_32] : memref<10112x128xf32, #tpu.memory_space<vmem_shared>> -> memref<128x128xf32, #tpu.memory_space<vmem_shared>>
      %dma_start3A_34 = arith.constant 0 : i32
      %dma_start3A_35 = tpu.memref_slice %arg9[%add3A_7, %dma_start3A_34] : memref<10112x128xf32, #tpu.memory_space<vmem_shared>> -> memref<128x128xf32, #tpu.memory_space<vmem_shared>>
      %dma_start3A_36 = arith.constant 0 : i32
      %dma_start3A_37 = arith.constant 0 : i32
      %dma_start3A_38 = tpu.memref_slice %arg8[%dma_start3A_36, %dma_start3A_37] : memref<224x128xf32, #tpu.memory_space<vmem>> -> memref<128x128xf32, #tpu.memory_space<vmem>>
      tpu.enqueue_dma source(%dma_start3A_38 : memref<128x128xf32, #tpu.memory_space<vmem>>) target(%dma_start3A_35 : memref<128x128xf32, #tpu.memory_space<vmem_shared>>) target_semaphore(%run_scoped3A : memref<!tpu.dma_semaphore, #tpu.memory_space<semaphore_mem>>)
      %dma_wait3A = arith.constant 0 : i32
      %dma_wait3A_39 = arith.constant 0 : i32
      %dma_wait3A_40 = tpu.memref_slice %arg8[%dma_wait3A, %dma_wait3A_39] : memref<224x128xf32, #tpu.memory_space<vmem>> -> memref<128x128xf32, #tpu.memory_space<vmem>>
      %dma_wait3A_41 = arith.constant 0 : i32
      %dma_wait3A_42 = tpu.memref_slice %arg9[%add3A_7, %dma_wait3A_41] : memref<10112x128xf32, #tpu.memory_space<vmem_shared>> -> memref<128x128xf32, #tpu.memory_space<vmem_shared>>
      %dma_wait3A_43 = arith.constant 0 : i32
      %dma_wait3A_44 = tpu.memref_slice %arg9[%add3A_7, %dma_wait3A_43] : memref<10112x128xf32, #tpu.memory_space<vmem_shared>> -> memref<128x128xf32, #tpu.memory_space<vmem_shared>>
      %dma_wait3A_45 = arith.constant 0 : i32
      %dma_wait3A_46 = arith.constant 0 : i32
      %dma_wait3A_47 = tpu.memref_slice %arg8[%dma_wait3A_45, %dma_wait3A_46] : memref<224x128xf32, #tpu.memory_space<vmem>> -> memref<128x128xf32, #tpu.memory_space<vmem>>
      tpu.wait_dma2 semaphore(%run_scoped3A : memref<!tpu.dma_semaphore, #tpu.memory_space<semaphore_mem>>) src(%dma_wait3A_47 : memref<128x128xf32, #tpu.memory_space<vmem>>) dst(%dma_wait3A_44 : memref<128x128xf32, #tpu.memory_space<vmem_shared>>)
      tpu.yield
    }) : () -> ()
    %add3A_8 = arith.constant 128 : i32
    %add3A_9 = arith.addi %mul3A_6, %add3A_8 : i32
    "tpu.region"() ({
      %run_scoped3A = tpu.sem_alloc : memref<!tpu.dma_semaphore, #tpu.memory_space<semaphore_mem>>
      %dma_start3A = arith.constant 0 : i32
      %dma_start3A_30 = arith.constant 0 : i32
      %dma_start3A_31 = tpu.memref_slice %arg8[%dma_start3A, %dma_start3A_30] : memref<224x128xf32, #tpu.memory_space<vmem>> -> memref<128x128xf32, #tpu.memory_space<vmem>>
      %dma_start3A_32 = arith.constant 0 : i32
      %dma_start3A_33 = tpu.memref_slice %arg9[%add3A_9, %dma_start3A_32] : memref<10112x128xf32, #tpu.memory_space<vmem_shared>> -> memref<128x128xf32, #tpu.memory_space<vmem_shared>>
      %dma_start3A_34 = arith.constant 0 : i32
      %dma_start3A_35 = tpu.memref_slice %arg9[%add3A_9, %dma_start3A_34] : memref<10112x128xf32, #tpu.memory_space<vmem_shared>> -> memref<128x128xf32, #tpu.memory_space<vmem_shared>>
      %dma_start3A_36 = arith.constant 0 : i32
      %dma_start3A_37 = arith.constant 0 : i32
      %dma_start3A_38 = tpu.memref_slice %arg8[%dma_start3A_36, %dma_start3A_37] : memref<224x128xf32, #tpu.memory_space<vmem>> -> memref<128x128xf32, #tpu.memory_space<vmem>>
      tpu.enqueue_dma source(%dma_start3A_38 : memref<128x128xf32, #tpu.memory_space<vmem>>) target(%dma_start3A_35 : memref<128x128xf32, #tpu.memory_space<vmem_shared>>) target_semaphore(%run_scoped3A : memref<!tpu.dma_semaphore, #tpu.memory_space<semaphore_mem>>)
      %dma_wait3A = arith.constant 0 : i32
      %dma_wait3A_39 = arith.constant 0 : i32
      %dma_wait3A_40 = tpu.memref_slice %arg8[%dma_wait3A, %dma_wait3A_39] : memref<224x128xf32, #tpu.memory_space<vmem>> -> memref<128x128xf32, #tpu.memory_space<vmem>>
      %dma_wait3A_41 = arith.constant 0 : i32
      %dma_wait3A_42 = tpu.memref_slice %arg9[%add3A_9, %dma_wait3A_41] : memref<10112x128xf32, #tpu.memory_space<vmem_shared>> -> memref<128x128xf32, #tpu.memory_space<vmem_shared>>
      %dma_wait3A_43 = arith.constant 0 : i32
      %dma_wait3A_44 = tpu.memref_slice %arg9[%add3A_9, %dma_wait3A_43] : memref<10112x128xf32, #tpu.memory_space<vmem_shared>> -> memref<128x128xf32, #tpu.memory_space<vmem_shared>>
      %dma_wait3A_45 = arith.constant 0 : i32
      %dma_wait3A_46 = arith.constant 0 : i32
      %dma_wait3A_47 = tpu.memref_slice %arg8[%dma_wait3A_45, %dma_wait3A_46] : memref<224x128xf32, #tpu.memory_space<vmem>> -> memref<128x128xf32, #tpu.memory_space<vmem>>
      tpu.wait_dma2 semaphore(%run_scoped3A : memref<!tpu.dma_semaphore, #tpu.memory_space<semaphore_mem>>) src(%dma_wait3A_47 : memref<128x128xf32, #tpu.memory_space<vmem>>) dst(%dma_wait3A_44 : memref<128x128xf32, #tpu.memory_space<vmem_shared>>)
      tpu.yield
    }) : () -> ()
    %add3A_10 = arith.constant 256 : i32
    %add3A_11 = arith.addi %mul3A_6, %add3A_10 : i32
    "tpu.region"() ({
      %run_scoped3A = tpu.sem_alloc : memref<!tpu.dma_semaphore, #tpu.memory_space<semaphore_mem>>
      %dma_start3A = arith.constant 0 : i32
      %dma_start3A_30 = arith.constant 0 : i32
      %dma_start3A_31 = tpu.memref_slice %arg8[%dma_start3A, %dma_start3A_30] : memref<224x128xf32, #tpu.memory_space<vmem>> -> memref<128x128xf32, #tpu.memory_space<vmem>>
      %dma_start3A_32 = arith.constant 0 : i32
      %dma_start3A_33 = tpu.memref_slice %arg9[%add3A_11, %dma_start3A_32] : memref<10112x128xf32, #tpu.memory_space<vmem_shared>> -> memref<128x128xf32, #tpu.memory_space<vmem_shared>>
      %dma_start3A_34 = arith.constant 0 : i32
      %dma_start3A_35 = tpu.memref_slice %arg9[%add3A_11, %dma_start3A_34] : memref<10112x128xf32, #tpu.memory_space<vmem_shared>> -> memref<128x128xf32, #tpu.memory_space<vmem_shared>>
      %dma_start3A_36 = arith.constant 0 : i32
      %dma_start3A_37 = arith.constant 0 : i32
      %dma_start3A_38 = tpu.memref_slice %arg8[%dma_start3A_36, %dma_start3A_37] : memref<224x128xf32, #tpu.memory_space<vmem>> -> memref<128x128xf32, #tpu.memory_space<vmem>>
      tpu.enqueue_dma source(%dma_start3A_38 : memref<128x128xf32, #tpu.memory_space<vmem>>) target(%dma_start3A_35 : memref<128x128xf32, #tpu.memory_space<vmem_shared>>) target_semaphore(%run_scoped3A : memref<!tpu.dma_semaphore, #tpu.memory_space<semaphore_mem>>)
      %dma_wait3A = arith.constant 0 : i32
      %dma_wait3A_39 = arith.constant 0 : i32
      %dma_wait3A_40 = tpu.memref_slice %arg8[%dma_wait3A, %dma_wait3A_39] : memref<224x128xf32, #tpu.memory_space<vmem>> -> memref<128x128xf32, #tpu.memory_space<vmem>>
      %dma_wait3A_41 = arith.constant 0 : i32
      %dma_wait3A_42 = tpu.memref_slice %arg9[%add3A_11, %dma_wait3A_41] : memref<10112x128xf32, #tpu.memory_space<vmem_shared>> -> memref<128x128xf32, #tpu.memory_space<vmem_shared>>
      %dma_wait3A_43 = arith.constant 0 : i32
      %dma_wait3A_44 = tpu.memref_slice %arg9[%add3A_11, %dma_wait3A_43] : memref<10112x128xf32, #tpu.memory_space<vmem_shared>> -> memref<128x128xf32, #tpu.memory_space<vmem_shared>>
      %dma_wait3A_45 = arith.constant 0 : i32
      %dma_wait3A_46 = arith.constant 0 : i32
      %dma_wait3A_47 = tpu.memref_slice %arg8[%dma_wait3A_45, %dma_wait3A_46] : memref<224x128xf32, #tpu.memory_space<vmem>> -> memref<128x128xf32, #tpu.memory_space<vmem>>
      tpu.wait_dma2 semaphore(%run_scoped3A : memref<!tpu.dma_semaphore, #tpu.memory_space<semaphore_mem>>) src(%dma_wait3A_47 : memref<128x128xf32, #tpu.memory_space<vmem>>) dst(%dma_wait3A_44 : memref<128x128xf32, #tpu.memory_space<vmem_shared>>)
      tpu.yield
    }) : () -> ()
    %add3A_12 = arith.constant 384 : i32
    %add3A_13 = arith.addi %mul3A_6, %add3A_12 : i32
    "tpu.region"() ({
      %run_scoped3A = tpu.sem_alloc : memref<!tpu.dma_semaphore, #tpu.memory_space<semaphore_mem>>
      %dma_start3A = arith.constant 0 : i32
      %dma_start3A_30 = arith.constant 0 : i32
      %dma_start3A_31 = tpu.memref_slice %arg8[%dma_start3A, %dma_start3A_30] : memref<224x128xf32, #tpu.memory_space<vmem>> -> memref<128x128xf32, #tpu.memory_space<vmem>>
      %dma_start3A_32 = arith.constant 0 : i32
      %dma_start3A_33 = tpu.memref_slice %arg9[%add3A_13, %dma_start3A_32] : memref<10112x128xf32, #tpu.memory_space<vmem_shared>> -> memref<128x128xf32, #tpu.memory_space<vmem_shared>>
      %dma_start3A_34 = arith.constant 0 : i32
      %dma_start3A_35 = tpu.memref_slice %arg9[%add3A_13, %dma_start3A_34] : memref<10112x128xf32, #tpu.memory_space<vmem_shared>> -> memref<128x128xf32, #tpu.memory_space<vmem_shared>>
      %dma_start3A_36 = arith.constant 0 : i32
      %dma_start3A_37 = arith.constant 0 : i32
      %dma_start3A_38 = tpu.memref_slice %arg8[%dma_start3A_36, %dma_start3A_37] : memref<224x128xf32, #tpu.memory_space<vmem>> -> memref<128x128xf32, #tpu.memory_space<vmem>>
      tpu.enqueue_dma source(%dma_start3A_38 : memref<128x128xf32, #tpu.memory_space<vmem>>) target(%dma_start3A_35 : memref<128x128xf32, #tpu.memory_space<vmem_shared>>) target_semaphore(%run_scoped3A : memref<!tpu.dma_semaphore, #tpu.memory_space<semaphore_mem>>)
      %dma_wait3A = arith.constant 0 : i32
      %dma_wait3A_39 = arith.constant 0 : i32
      %dma_wait3A_40 = tpu.memref_slice %arg8[%dma_wait3A, %dma_wait3A_39] : memref<224x128xf32, #tpu.memory_space<vmem>> -> memref<128x128xf32, #tpu.memory_space<vmem>>
      %dma_wait3A_41 = arith.constant 0 : i32
      %dma_wait3A_42 = tpu.memref_slice %arg9[%add3A_13, %dma_wait3A_41] : memref<10112x128xf32, #tpu.memory_space<vmem_shared>> -> memref<128x128xf32, #tpu.memory_space<vmem_shared>>
      %dma_wait3A_43 = arith.constant 0 : i32
      %dma_wait3A_44 = tpu.memref_slice %arg9[%add3A_13, %dma_wait3A_43] : memref<10112x128xf32, #tpu.memory_space<vmem_shared>> -> memref<128x128xf32, #tpu.memory_space<vmem_shared>>
      %dma_wait3A_45 = arith.constant 0 : i32
      %dma_wait3A_46 = arith.constant 0 : i32
      %dma_wait3A_47 = tpu.memref_slice %arg8[%dma_wait3A_45, %dma_wait3A_46] : memref<224x128xf32, #tpu.memory_space<vmem>> -> memref<128x128xf32, #tpu.memory_space<vmem>>
      tpu.wait_dma2 semaphore(%run_scoped3A : memref<!tpu.dma_semaphore, #tpu.memory_space<semaphore_mem>>) src(%dma_wait3A_47 : memref<128x128xf32, #tpu.memory_space<vmem>>) dst(%dma_wait3A_44 : memref<128x128xf32, #tpu.memory_space<vmem_shared>>)
      tpu.yield
    }) : () -> ()
    %add3A_14 = arith.constant 512 : i32
    %add3A_15 = arith.addi %mul3A_6, %add3A_14 : i32
    "tpu.region"() ({
      %run_scoped3A = tpu.sem_alloc : memref<!tpu.dma_semaphore, #tpu.memory_space<semaphore_mem>>
      %dma_start3A = arith.constant 0 : i32
      %dma_start3A_30 = arith.constant 0 : i32
      %dma_start3A_31 = tpu.memref_slice %arg8[%dma_start3A, %dma_start3A_30] : memref<224x128xf32, #tpu.memory_space<vmem>> -> memref<120x128xf32, #tpu.memory_space<vmem>>
      %dma_start3A_32 = arith.constant 0 : i32
      %dma_start3A_33 = tpu.memref_slice %arg9[%add3A_15, %dma_start3A_32] : memref<10112x128xf32, #tpu.memory_space<vmem_shared>> -> memref<120x128xf32, #tpu.memory_space<vmem_shared>>
      %dma_start3A_34 = arith.constant 0 : i32
      %dma_start3A_35 = tpu.memref_slice %arg9[%add3A_15, %dma_start3A_34] : memref<10112x128xf32, #tpu.memory_space<vmem_shared>> -> memref<120x128xf32, #tpu.memory_space<vmem_shared>>
      %dma_start3A_36 = arith.constant 0 : i32
      %dma_start3A_37 = arith.constant 0 : i32
      %dma_start3A_38 = tpu.memref_slice %arg8[%dma_start3A_36, %dma_start3A_37] : memref<224x128xf32, #tpu.memory_space<vmem>> -> memref<120x128xf32, #tpu.memory_space<vmem>>
      tpu.enqueue_dma source(%dma_start3A_38 : memref<120x128xf32, #tpu.memory_space<vmem>>) target(%dma_start3A_35 : memref<120x128xf32, #tpu.memory_space<vmem_shared>>) target_semaphore(%run_scoped3A : memref<!tpu.dma_semaphore, #tpu.memory_space<semaphore_mem>>)
      %dma_wait3A = arith.constant 0 : i32
      %dma_wait3A_39 = arith.constant 0 : i32
      %dma_wait3A_40 = tpu.memref_slice %arg8[%dma_wait3A, %dma_wait3A_39] : memref<224x128xf32, #tpu.memory_space<vmem>> -> memref<120x128xf32, #tpu.memory_space<vmem>>
      %dma_wait3A_41 = arith.constant 0 : i32
      %dma_wait3A_42 = tpu.memref_slice %arg9[%add3A_15, %dma_wait3A_41] : memref<10112x128xf32, #tpu.memory_space<vmem_shared>> -> memref<120x128xf32, #tpu.memory_space<vmem_shared>>
      %dma_wait3A_43 = arith.constant 0 : i32
      %dma_wait3A_44 = tpu.memref_slice %arg9[%add3A_15, %dma_wait3A_43] : memref<10112x128xf32, #tpu.memory_space<vmem_shared>> -> memref<120x128xf32, #tpu.memory_space<vmem_shared>>
      %dma_wait3A_45 = arith.constant 0 : i32
      %dma_wait3A_46 = arith.constant 0 : i32
      %dma_wait3A_47 = tpu.memref_slice %arg8[%dma_wait3A_45, %dma_wait3A_46] : memref<224x128xf32, #tpu.memory_space<vmem>> -> memref<120x128xf32, #tpu.memory_space<vmem>>
      tpu.wait_dma2 semaphore(%run_scoped3A : memref<!tpu.dma_semaphore, #tpu.memory_space<semaphore_mem>>) src(%dma_wait3A_47 : memref<120x128xf32, #tpu.memory_space<vmem>>) dst(%dma_wait3A_44 : memref<120x128xf32, #tpu.memory_space<vmem_shared>>)
      tpu.yield
    }) : () -> ()
    %barrier3A = arith.constant 0 : index
    tpu.barrier barrier_id(%barrier3A)
    %mul3A_16 = arith.constant 96 : i32
    %mul3A_17 = arith.muli %arg0, %mul3A_16 : i32
    %eq3A = arith.constant 0 : i32
    %eq3A_18 = arith.cmpi eq, %arg0, %eq3A : i32
    %jit3A = arith.constant 6 : i32
    %jit3A_19 = arith.constant 4 : i32
    %select_n3A = arith.select %eq3A_18, %jit3A, %jit3A_19 : i32
    %while3A = arith.constant 0 : i32
    %while3A_20 = arith.constant 0 : i32
    %while3A_21 = arith.subi %select_n3A, %while3A_20 : i32
    %while3A_22 = arith.addi %while3A_20, %while3A_21 : i32
    %while3A_23 = arith.constant 1 : i32
    %while3A_24 = arith.divsi %while3A_21, %while3A_23 : i32
    %while3A_25 = arith.muli %while3A_24, %while3A_23 : i32
    %while3A_26 = arith.addi %while3A_20, %while3A_25 : i32
    %while3A_27 = arith.constant 1 : i32
    scf.for %while3A_30 = %while3A_20 to %while3A_26 step %while3A_27  : i32 {
      %mul3A_31 = arith.constant 16 : i32
      %mul3A_32 = arith.muli %while3A_30, %mul3A_31 : i32
      %add3A_33 = arith.addi %mul3A_17, %mul3A_32 : i32
      %add3A_34 = arith.addi %add3A_33, %arg1 : i32
      "tpu.region"() ({
        %run_scoped3A = tpu.sem_alloc : memref<!tpu.dma_semaphore, #tpu.memory_space<semaphore_mem>>
        %dma_start3A = arith.constant 0 : i32
        %dma_start3A_41 = tpu.memref_slice %arg3[%add3A_34, %dma_start3A] : memref<160x2016xi32, #tpu.memory_space<hbm>> -> memref<1x2016xi32, #tpu.memory_space<hbm>>
        %dma_start3A_42 = tpu.memref_squeeze %dma_start3A_41 : memref<1x2016xi32, #tpu.memory_space<hbm>> -> memref<2016xi32, #tpu.memory_space<hbm>>
        %dma_start3A_43 = arith.constant 0 : i32
        %dma_start3A_44 = tpu.memref_slice %arg3[%add3A_34, %dma_start3A_43] : memref<160x2016xi32, #tpu.memory_space<hbm>> -> memref<1x2016xi32, #tpu.memory_space<hbm>>
        %dma_start3A_45 = tpu.memref_squeeze %dma_start3A_44 : memref<1x2016xi32, #tpu.memory_space<hbm>> -> memref<2016xi32, #tpu.memory_space<hbm>>
        tpu.enqueue_dma source(%dma_start3A_45 : memref<2016xi32, #tpu.memory_space<hbm>>) target(%arg6 : memref<2016xi32, #tpu.memory_space<vmem>>) target_semaphore(%run_scoped3A : memref<!tpu.dma_semaphore, #tpu.memory_space<semaphore_mem>>)
        %dma_wait3A = arith.constant 0 : i32
        %dma_wait3A_46 = tpu.memref_slice %arg3[%add3A_34, %dma_wait3A] : memref<160x2016xi32, #tpu.memory_space<hbm>> -> memref<1x2016xi32, #tpu.memory_space<hbm>>
        %dma_wait3A_47 = tpu.memref_squeeze %dma_wait3A_46 : memref<1x2016xi32, #tpu.memory_space<hbm>> -> memref<2016xi32, #tpu.memory_space<hbm>>
        %dma_wait3A_48 = arith.constant 0 : i32
        %dma_wait3A_49 = tpu.memref_slice %arg3[%add3A_34, %dma_wait3A_48] : memref<160x2016xi32, #tpu.memory_space<hbm>> -> memref<1x2016xi32, #tpu.memory_space<hbm>>
        %dma_wait3A_50 = tpu.memref_squeeze %dma_wait3A_49 : memref<1x2016xi32, #tpu.memory_space<hbm>> -> memref<2016xi32, #tpu.memory_space<hbm>>
        tpu.wait_dma2 semaphore(%run_scoped3A : memref<!tpu.dma_semaphore, #tpu.memory_space<semaphore_mem>>) src(%dma_wait3A_50 : memref<2016xi32, #tpu.memory_space<hbm>>) dst(%arg6 : memref<2016xi32, #tpu.memory_space<vmem>>)
        tpu.yield
      }) : () -> ()
      "tpu.region"() ({
        %run_scoped3A = tpu.sem_alloc : memref<!tpu.dma_semaphore, #tpu.memory_space<semaphore_mem>>
        %dma_start3A = arith.constant 0 : i32
        %dma_start3A_41 = tpu.memref_slice %arg4[%add3A_34, %dma_start3A] : memref<160x2016xi32, #tpu.memory_space<hbm>> -> memref<1x2016xi32, #tpu.memory_space<hbm>>
        %dma_start3A_42 = tpu.memref_squeeze %dma_start3A_41 : memref<1x2016xi32, #tpu.memory_space<hbm>> -> memref<2016xi32, #tpu.memory_space<hbm>>
        %dma_start3A_43 = arith.constant 0 : i32
        %dma_start3A_44 = tpu.memref_slice %arg4[%add3A_34, %dma_start3A_43] : memref<160x2016xi32, #tpu.memory_space<hbm>> -> memref<1x2016xi32, #tpu.memory_space<hbm>>
        %dma_start3A_45 = tpu.memref_squeeze %dma_start3A_44 : memref<1x2016xi32, #tpu.memory_space<hbm>> -> memref<2016xi32, #tpu.memory_space<hbm>>
        tpu.enqueue_dma source(%dma_start3A_45 : memref<2016xi32, #tpu.memory_space<hbm>>) target(%arg7 : memref<2016xi32, #tpu.memory_space<vmem>>) target_semaphore(%run_scoped3A : memref<!tpu.dma_semaphore, #tpu.memory_space<semaphore_mem>>)
        %dma_wait3A = arith.constant 0 : i32
        %dma_wait3A_46 = tpu.memref_slice %arg4[%add3A_34, %dma_wait3A] : memref<160x2016xi32, #tpu.memory_space<hbm>> -> memref<1x2016xi32, #tpu.memory_space<hbm>>
        %dma_wait3A_47 = tpu.memref_squeeze %dma_wait3A_46 : memref<1x2016xi32, #tpu.memory_space<hbm>> -> memref<2016xi32, #tpu.memory_space<hbm>>
        %dma_wait3A_48 = arith.constant 0 : i32
        %dma_wait3A_49 = tpu.memref_slice %arg4[%add3A_34, %dma_wait3A_48] : memref<160x2016xi32, #tpu.memory_space<hbm>> -> memref<1x2016xi32, #tpu.memory_space<hbm>>
        %dma_wait3A_50 = tpu.memref_squeeze %dma_wait3A_49 : memref<1x2016xi32, #tpu.memory_space<hbm>> -> memref<2016xi32, #tpu.memory_space<hbm>>
        tpu.wait_dma2 semaphore(%run_scoped3A : memref<!tpu.dma_semaphore, #tpu.memory_space<semaphore_mem>>) src(%dma_wait3A_50 : memref<2016xi32, #tpu.memory_space<hbm>>) dst(%arg7 : memref<2016xi32, #tpu.memory_space<vmem>>)
        tpu.yield
      }) : () -> ()
      %scan3A_35 = arith.constant 0 : i32
      %scan3A_36 = arith.constant 0 : i32
      %scan3A_37 = arith.constant 9 : i32
      %scan3A_38 = arith.addi %scan3A_36, %scan3A_37 : i32
      %scan3A_39 = arith.constant 1 : i32
      scf.for %scan3A_41 = %scan3A_36 to %scan3A_38 step %scan3A_39  : i32 {
        %mul3A_42 = arith.constant 224 : i32
        %mul3A_43 = arith.muli %scan3A_41, %mul3A_42 : i32
        %dma_start3A = tpu.memref_slice %arg6[%mul3A_43] : memref<2016xi32, #tpu.memory_space<vmem>> -> memref<224xi32, #tpu.memory_space<vmem>>
        %dma_start3A_44 = arith.constant 0 : i32
        %dma_start3A_45 = arith.constant 0 : i32
        %dma_start3A_46 = tpu.memref_slice %arg2[%dma_start3A_44, %dma_start3A_45] : memref<10000x128xf32, #tpu.memory_space<hbm>> -> memref<10000x128xf32, #tpu.memory_space<hbm>>
        tpu.enqueue_indirect_dma source(%dma_start3A_46 : memref<10000x128xf32, #tpu.memory_space<hbm>>) target(%arg8 : memref<224x128xf32, #tpu.memory_space<vmem>>) offsets(%dma_start3A : memref<224xi32, #tpu.memory_space<vmem>>) semaphore(%arg10 : memref<!tpu.dma_semaphore, #tpu.memory_space<semaphore_mem>>)
        %dma_wait3A = tpu.memref_slice %arg6[%mul3A_43] : memref<2016xi32, #tpu.memory_space<vmem>> -> memref<224xi32, #tpu.memory_space<vmem>>
        %dma_wait3A_47 = arith.constant 0 : i32
        %dma_wait3A_48 = arith.constant 0 : i32
        %dma_wait3A_49 = tpu.memref_slice %arg2[%dma_wait3A_47, %dma_wait3A_48] : memref<10000x128xf32, #tpu.memory_space<hbm>> -> memref<10000x128xf32, #tpu.memory_space<hbm>>
        tpu.wait_indirect_dma semaphore(%arg10 : memref<!tpu.dma_semaphore, #tpu.memory_space<semaphore_mem>>) src(%dma_wait3A_49 : memref<10000x128xf32, #tpu.memory_space<hbm>>) dst(%arg8 : memref<224x128xf32, #tpu.memory_space<vmem>>)
        %mul3A_50 = arith.constant 224 : i32
        %mul3A_51 = arith.muli %scan3A_41, %mul3A_50 : i32
        "tpu.region"() ({
          %run_scoped3A = tpu.sem_alloc : memref<!tpu.dma_semaphore, #tpu.memory_space<semaphore_mem>>
          %dma_start3A_52 = tpu.memref_slice %arg7[%mul3A_51] : memref<2016xi32, #tpu.memory_space<vmem>> -> memref<224xi32, #tpu.memory_space<vmem>>
          %dma_start3A_53 = arith.constant 0 : i32
          %dma_start3A_54 = arith.constant 0 : i32
          %dma_start3A_55 = tpu.memref_slice %arg9[%dma_start3A_53, %dma_start3A_54] : memref<10112x128xf32, #tpu.memory_space<vmem_shared>> -> memref<10112x128xf32, #tpu.memory_space<vmem_shared>>
          tpu.enqueue_indirect_dma source(%arg8 : memref<224x128xf32, #tpu.memory_space<vmem>>) target(%dma_start3A_55 : memref<10112x128xf32, #tpu.memory_space<vmem_shared>>) offsets(%dma_start3A_52 : memref<224xi32, #tpu.memory_space<vmem>>) semaphore(%run_scoped3A : memref<!tpu.dma_semaphore, #tpu.memory_space<semaphore_mem>>) {add = true}
          %dma_wait3A_56 = tpu.memref_slice %arg7[%mul3A_51] : memref<2016xi32, #tpu.memory_space<vmem>> -> memref<224xi32, #tpu.memory_space<vmem>>
          %dma_wait3A_57 = arith.constant 0 : i32
          %dma_wait3A_58 = arith.constant 0 : i32
          %dma_wait3A_59 = tpu.memref_slice %arg9[%dma_wait3A_57, %dma_wait3A_58] : memref<10112x128xf32, #tpu.memory_space<vmem_shared>> -> memref<10112x128xf32, #tpu.memory_space<vmem_shared>>
          tpu.wait_indirect_dma semaphore(%run_scoped3A : memref<!tpu.dma_semaphore, #tpu.memory_space<semaphore_mem>>) src(%arg8 : memref<224x128xf32, #tpu.memory_space<vmem>>) dst(%dma_wait3A_59 : memref<10112x128xf32, #tpu.memory_space<vmem_shared>>)
          tpu.yield
        }) : () -> ()
      }
      %scan3A_40 = arith.constant 9 : i32
    }
    %while3A_28 = arith.constant 1 : i32
    scf.for %while3A_30 = %while3A_26 to %while3A_22 step %while3A_28  : i32 {
      %mul3A_31 = arith.constant 16 : i32
      %mul3A_32 = arith.muli %while3A_30, %mul3A_31 : i32
      %add3A_33 = arith.addi %mul3A_17, %mul3A_32 : i32
      %add3A_34 = arith.addi %add3A_33, %arg1 : i32
      "tpu.region"() ({
        %run_scoped3A = tpu.sem_alloc : memref<!tpu.dma_semaphore, #tpu.memory_space<semaphore_mem>>
        %dma_start3A = arith.constant 0 : i32
        %dma_start3A_41 = tpu.memref_slice %arg3[%add3A_34, %dma_start3A] : memref<160x2016xi32, #tpu.memory_space<hbm>> -> memref<1x2016xi32, #tpu.memory_space<hbm>>
        %dma_start3A_42 = tpu.memref_squeeze %dma_start3A_41 : memref<1x2016xi32, #tpu.memory_space<hbm>> -> memref<2016xi32, #tpu.memory_space<hbm>>
        %dma_start3A_43 = arith.constant 0 : i32
        %dma_start3A_44 = tpu.memref_slice %arg3[%add3A_34, %dma_start3A_43] : memref<160x2016xi32, #tpu.memory_space<hbm>> -> memref<1x2016xi32, #tpu.memory_space<hbm>>
        %dma_start3A_45 = tpu.memref_squeeze %dma_start3A_44 : memref<1x2016xi32, #tpu.memory_space<hbm>> -> memref<2016xi32, #tpu.memory_space<hbm>>
        tpu.enqueue_dma source(%dma_start3A_45 : memref<2016xi32, #tpu.memory_space<hbm>>) target(%arg6 : memref<2016xi32, #tpu.memory_space<vmem>>) target_semaphore(%run_scoped3A : memref<!tpu.dma_semaphore, #tpu.memory_space<semaphore_mem>>)
        %dma_wait3A = arith.constant 0 : i32
        %dma_wait3A_46 = tpu.memref_slice %arg3[%add3A_34, %dma_wait3A] : memref<160x2016xi32, #tpu.memory_space<hbm>> -> memref<1x2016xi32, #tpu.memory_space<hbm>>
        %dma_wait3A_47 = tpu.memref_squeeze %dma_wait3A_46 : memref<1x2016xi32, #tpu.memory_space<hbm>> -> memref<2016xi32, #tpu.memory_space<hbm>>
        %dma_wait3A_48 = arith.constant 0 : i32
        %dma_wait3A_49 = tpu.memref_slice %arg3[%add3A_34, %dma_wait3A_48] : memref<160x2016xi32, #tpu.memory_space<hbm>> -> memref<1x2016xi32, #tpu.memory_space<hbm>>
        %dma_wait3A_50 = tpu.memref_squeeze %dma_wait3A_49 : memref<1x2016xi32, #tpu.memory_space<hbm>> -> memref<2016xi32, #tpu.memory_space<hbm>>
        tpu.wait_dma2 semaphore(%run_scoped3A : memref<!tpu.dma_semaphore, #tpu.memory_space<semaphore_mem>>) src(%dma_wait3A_50 : memref<2016xi32, #tpu.memory_space<hbm>>) dst(%arg6 : memref<2016xi32, #tpu.memory_space<vmem>>)
        tpu.yield
      }) : () -> ()
      "tpu.region"() ({
        %run_scoped3A = tpu.sem_alloc : memref<!tpu.dma_semaphore, #tpu.memory_space<semaphore_mem>>
        %dma_start3A = arith.constant 0 : i32
        %dma_start3A_41 = tpu.memref_slice %arg4[%add3A_34, %dma_start3A] : memref<160x2016xi32, #tpu.memory_space<hbm>> -> memref<1x2016xi32, #tpu.memory_space<hbm>>
        %dma_start3A_42 = tpu.memref_squeeze %dma_start3A_41 : memref<1x2016xi32, #tpu.memory_space<hbm>> -> memref<2016xi32, #tpu.memory_space<hbm>>
        %dma_start3A_43 = arith.constant 0 : i32
        %dma_start3A_44 = tpu.memref_slice %arg4[%add3A_34, %dma_start3A_43] : memref<160x2016xi32, #tpu.memory_space<hbm>> -> memref<1x2016xi32, #tpu.memory_space<hbm>>
        %dma_start3A_45 = tpu.memref_squeeze %dma_start3A_44 : memref<1x2016xi32, #tpu.memory_space<hbm>> -> memref<2016xi32, #tpu.memory_space<hbm>>
        tpu.enqueue_dma source(%dma_start3A_45 : memref<2016xi32, #tpu.memory_space<hbm>>) target(%arg7 : memref<2016xi32, #tpu.memory_space<vmem>>) target_semaphore(%run_scoped3A : memref<!tpu.dma_semaphore, #tpu.memory_space<semaphore_mem>>)
        %dma_wait3A = arith.constant 0 : i32
        %dma_wait3A_46 = tpu.memref_slice %arg4[%add3A_34, %dma_wait3A] : memref<160x2016xi32, #tpu.memory_space<hbm>> -> memref<1x2016xi32, #tpu.memory_space<hbm>>
        %dma_wait3A_47 = tpu.memref_squeeze %dma_wait3A_46 : memref<1x2016xi32, #tpu.memory_space<hbm>> -> memref<2016xi32, #tpu.memory_space<hbm>>
        %dma_wait3A_48 = arith.constant 0 : i32
        %dma_wait3A_49 = tpu.memref_slice %arg4[%add3A_34, %dma_wait3A_48] : memref<160x2016xi32, #tpu.memory_space<hbm>> -> memref<1x2016xi32, #tpu.memory_space<hbm>>
        %dma_wait3A_50 = tpu.memref_squeeze %dma_wait3A_49 : memref<1x2016xi32, #tpu.memory_space<hbm>> -> memref<2016xi32, #tpu.memory_space<hbm>>
        tpu.wait_dma2 semaphore(%run_scoped3A : memref<!tpu.dma_semaphore, #tpu.memory_space<semaphore_mem>>) src(%dma_wait3A_50 : memref<2016xi32, #tpu.memory_space<hbm>>) dst(%arg7 : memref<2016xi32, #tpu.memory_space<vmem>>)
        tpu.yield
      }) : () -> ()
      %scan3A_35 = arith.constant 0 : i32
      %scan3A_36 = arith.constant 0 : i32
      %scan3A_37 = arith.constant 9 : i32
      %scan3A_38 = arith.addi %scan3A_36, %scan3A_37 : i32
      %scan3A_39 = arith.constant 1 : i32
      scf.for %scan3A_41 = %scan3A_36 to %scan3A_38 step %scan3A_39  : i32 {
        %mul3A_42 = arith.constant 224 : i32
        %mul3A_43 = arith.muli %scan3A_41, %mul3A_42 : i32
        %dma_start3A = tpu.memref_slice %arg6[%mul3A_43] : memref<2016xi32, #tpu.memory_space<vmem>> -> memref<224xi32, #tpu.memory_space<vmem>>
        %dma_start3A_44 = arith.constant 0 : i32
        %dma_start3A_45 = arith.constant 0 : i32
        %dma_start3A_46 = tpu.memref_slice %arg2[%dma_start3A_44, %dma_start3A_45] : memref<10000x128xf32, #tpu.memory_space<hbm>> -> memref<10000x128xf32, #tpu.memory_space<hbm>>
        tpu.enqueue_indirect_dma source(%dma_start3A_46 : memref<10000x128xf32, #tpu.memory_space<hbm>>) target(%arg8 : memref<224x128xf32, #tpu.memory_space<vmem>>) offsets(%dma_start3A : memref<224xi32, #tpu.memory_space<vmem>>) semaphore(%arg10 : memref<!tpu.dma_semaphore, #tpu.memory_space<semaphore_mem>>)
        %dma_wait3A = tpu.memref_slice %arg6[%mul3A_43] : memref<2016xi32, #tpu.memory_space<vmem>> -> memref<224xi32, #tpu.memory_space<vmem>>
        %dma_wait3A_47 = arith.constant 0 : i32
        %dma_wait3A_48 = arith.constant 0 : i32
        %dma_wait3A_49 = tpu.memref_slice %arg2[%dma_wait3A_47, %dma_wait3A_48] : memref<10000x128xf32, #tpu.memory_space<hbm>> -> memref<10000x128xf32, #tpu.memory_space<hbm>>
        tpu.wait_indirect_dma semaphore(%arg10 : memref<!tpu.dma_semaphore, #tpu.memory_space<semaphore_mem>>) src(%dma_wait3A_49 : memref<10000x128xf32, #tpu.memory_space<hbm>>) dst(%arg8 : memref<224x128xf32, #tpu.memory_space<vmem>>)
        %mul3A_50 = arith.constant 224 : i32
        %mul3A_51 = arith.muli %scan3A_41, %mul3A_50 : i32
        "tpu.region"() ({
          %run_scoped3A = tpu.sem_alloc : memref<!tpu.dma_semaphore, #tpu.memory_space<semaphore_mem>>
          %dma_start3A_52 = tpu.memref_slice %arg7[%mul3A_51] : memref<2016xi32, #tpu.memory_space<vmem>> -> memref<224xi32, #tpu.memory_space<vmem>>
          %dma_start3A_53 = arith.constant 0 : i32
          %dma_start3A_54 = arith.constant 0 : i32
          %dma_start3A_55 = tpu.memref_slice %arg9[%dma_start3A_53, %dma_start3A_54] : memref<10112x128xf32, #tpu.memory_space<vmem_shared>> -> memref<10112x128xf32, #tpu.memory_space<vmem_shared>>
          tpu.enqueue_indirect_dma source(%arg8 : memref<224x128xf32, #tpu.memory_space<vmem>>) target(%dma_start3A_55 : memref<10112x128xf32, #tpu.memory_space<vmem_shared>>) offsets(%dma_start3A_52 : memref<224xi32, #tpu.memory_space<vmem>>) semaphore(%run_scoped3A : memref<!tpu.dma_semaphore, #tpu.memory_space<semaphore_mem>>) {add = true}
          %dma_wait3A_56 = tpu.memref_slice %arg7[%mul3A_51] : memref<2016xi32, #tpu.memory_space<vmem>> -> memref<224xi32, #tpu.memory_space<vmem>>
          %dma_wait3A_57 = arith.constant 0 : i32
          %dma_wait3A_58 = arith.constant 0 : i32
          %dma_wait3A_59 = tpu.memref_slice %arg9[%dma_wait3A_57, %dma_wait3A_58] : memref<10112x128xf32, #tpu.memory_space<vmem_shared>> -> memref<10112x128xf32, #tpu.memory_space<vmem_shared>>
          tpu.wait_indirect_dma semaphore(%run_scoped3A : memref<!tpu.dma_semaphore, #tpu.memory_space<semaphore_mem>>) src(%arg8 : memref<224x128xf32, #tpu.memory_space<vmem>>) dst(%dma_wait3A_59 : memref<10112x128xf32, #tpu.memory_space<vmem_shared>>)
          tpu.yield
        }) : () -> ()
      }
      %scan3A_40 = arith.constant 9 : i32
    }
    %barrier3A_29 = arith.constant 0 : index
    tpu.barrier barrier_id(%barrier3A_29)
    "tpu.region"() ({
      %run_scoped3A = tpu.sem_alloc : memref<!tpu.dma_semaphore, #tpu.memory_space<semaphore_mem>>
      %dma_start3A = arith.constant 0 : i32
      %dma_start3A_30 = arith.constant 0 : i32
      %dma_start3A_31 = tpu.memref_slice %arg5[%arg0, %arg1, %dma_start3A, %dma_start3A_30] : memref<2x16x632x128xf32, #tpu.memory_space<hbm>> -> memref<1x1x632x128xf32, #tpu.memory_space<hbm>>
      %dma_start3A_32 = tpu.memref_squeeze %dma_start3A_31 : memref<1x1x632x128xf32, #tpu.memory_space<hbm>> -> memref<632x128xf32, #tpu.memory_space<hbm>>
      %dma_start3A_33 = arith.constant 0 : i32
      %dma_start3A_34 = tpu.memref_slice %arg9[%mul3A_6, %dma_start3A_33] : memref<10112x128xf32, #tpu.memory_space<vmem_shared>> -> memref<632x128xf32, #tpu.memory_space<vmem_shared>>
      tpu.enqueue_dma source(%dma_start3A_34 : memref<632x128xf32, #tpu.memory_space<vmem_shared>>) target(%dma_start3A_32 : memref<632x128xf32, #tpu.memory_space<hbm>>) target_semaphore(%run_scoped3A : memref<!tpu.dma_semaphore, #tpu.memory_space<semaphore_mem>>)
      %dma_wait3A = arith.constant 0 : i32
      %dma_wait3A_35 = arith.constant 0 : i32
      %dma_wait3A_36 = tpu.memref_slice %arg5[%arg0, %arg1, %dma_wait3A, %dma_wait3A_35] : memref<2x16x632x128xf32, #tpu.memory_space<hbm>> -> memref<1x1x632x128xf32, #tpu.memory_space<hbm>>
      %dma_wait3A_37 = tpu.memref_squeeze %dma_wait3A_36 : memref<1x1x632x128xf32, #tpu.memory_space<hbm>> -> memref<632x128xf32, #tpu.memory_space<hbm>>
      %dma_wait3A_38 = arith.constant 0 : i32
      %dma_wait3A_39 = tpu.memref_slice %arg9[%mul3A_6, %dma_wait3A_38] : memref<10112x128xf32, #tpu.memory_space<vmem_shared>> -> memref<632x128xf32, #tpu.memory_space<vmem_shared>>
      tpu.wait_dma2 semaphore(%run_scoped3A : memref<!tpu.dma_semaphore, #tpu.memory_space<semaphore_mem>>) src(%dma_wait3A_39 : memref<632x128xf32, #tpu.memory_space<vmem_shared>>) dst(%dma_wait3A_37 : memref<632x128xf32, #tpu.memory_space<hbm>>)
      tpu.yield
    }) : () -> ()
    return
  }
}

#map = affine_map<(d0, d1) -> (0, 0)>
#map1 = affine_map<(d0, d1) -> (0, 0, 0, 0)>
module attributes {stable_mosaic.version = 14 : i64} {
  func.func @agg_body(%arg0: i32, %arg1: i32, %arg2: memref<10000x128xf32, #tpu.memory_space<hbm>>, %arg3: memref<160x2016xi32, #tpu.memory_space<hbm>>, %arg4: memref<160x2016xi32, #tpu.memory_space<hbm>>, %arg5: memref<2x16x632x128xf32, #tpu.memory_space<hbm>>, %arg6: memref<2016xi32, #tpu.memory_space<vmem>>, %arg7: memref<2016xi32, #tpu.memory_space<vmem>>, %arg8: memref<224x128xf32, #tpu.memory_space<vmem>>, %arg9: memref<10112x128xf32, #tpu.memory_space<vmem_shared>>, %arg10: memref<!tpu.dma_semaphore, #tpu.memory_space<semaphore_mem>>) attributes {dimension_semantics = [#tpu.dimension_semantics<core_parallel>, #tpu.dimension_semantics<subcore_parallel>], iteration_bounds = array<i64: 2, 16>, scalar_prefetch = 0 : i64, scratch_operands = 5 : i64, tpu.core_type = #tpu.core_type<sc_vector_subcore>, window_params = [{transform_indices = #map}, {transform_indices = #map}, {transform_indices = #map}, {transform_indices = #map1}]} {
    %broadcast_in_dim3A = arith.constant 0.000000e+00 : f32
    %broadcast_in_dim3A_0 = vector.broadcast %broadcast_in_dim3A : f32 to vector<16xf32>
    %scan3A = arith.constant 0 : i32
    %scan3A_1 = arith.constant 0 : i32
    %scan3A_2 = arith.constant 224 : i32
    %scan3A_3 = arith.addi %scan3A_1, %scan3A_2 : i32
    %scan3A_4 = arith.constant 1 : i32
    scf.for %scan3A_30 = %scan3A_1 to %scan3A_3 step %scan3A_4  : i32 {
      %swap3A = arith.index_cast %scan3A_30 : i32 to index
      %swap3A_31 = arith.constant 0 : index
      %swap3A_32 = tpu.vector_load %arg8[%swap3A, %swap3A_31] {strides = array<i32>} : memref<224x128xf32, #tpu.memory_space<vmem>>, vector<1x16xf32>,
      %swap3A_33 = vector.shape_cast %swap3A_32 : vector<1x16xf32> to vector<16xf32>
      %swap3A_34 = vector.shape_cast %broadcast_in_dim3A_0 : vector<16xf32> to vector<1x16xf32>
      tpu.vector_store %arg8[%swap3A, %swap3A_31], %swap3A_34 {strides = array<i32>} : memref<224x128xf32, #tpu.memory_space<vmem>>, vector<1x16xf32>,
      %swap3A_35 = arith.index_cast %scan3A_30 : i32 to index
      %swap3A_36 = arith.constant 16 : index
      %swap3A_37 = tpu.vector_load %arg8[%swap3A_35, %swap3A_36] {strides = array<i32>} : memref<224x128xf32, #tpu.memory_space<vmem>>, vector<1x16xf32>,
      %swap3A_38 = vector.shape_cast %swap3A_37 : vector<1x16xf32> to vector<16xf32>
      %swap3A_39 = vector.shape_cast %broadcast_in_dim3A_0 : vector<16xf32> to vector<1x16xf32>
      tpu.vector_store %arg8[%swap3A_35, %swap3A_36], %swap3A_39 {strides = array<i32>} : memref<224x128xf32, #tpu.memory_space<vmem>>, vector<1x16xf32>,
      %swap3A_40 = arith.index_cast %scan3A_30 : i32 to index
      %swap3A_41 = arith.constant 32 : index
      %swap3A_42 = tpu.vector_load %arg8[%swap3A_40, %swap3A_41] {strides = array<i32>} : memref<224x128xf32, #tpu.memory_space<vmem>>, vector<1x16xf32>,
      %swap3A_43 = vector.shape_cast %swap3A_42 : vector<1x16xf32> to vector<16xf32>
      %swap3A_44 = vector.shape_cast %broadcast_in_dim3A_0 : vector<16xf32> to vector<1x16xf32>
      tpu.vector_store %arg8[%swap3A_40, %swap3A_41], %swap3A_44 {strides = array<i32>} : memref<224x128xf32, #tpu.memory_space<vmem>>, vector<1x16xf32>,
      %swap3A_45 = arith.index_cast %scan3A_30 : i32 to index
      %swap3A_46 = arith.constant 48 : index
      %swap3A_47 = tpu.vector_load %arg8[%swap3A_45, %swap3A_46] {strides = array<i32>} : memref<224x128xf32, #tpu.memory_space<vmem>>, vector<1x16xf32>,
      %swap3A_48 = vector.shape_cast %swap3A_47 : vector<1x16xf32> to vector<16xf32>
      %swap3A_49 = vector.shape_cast %broadcast_in_dim3A_0 : vector<16xf32> to vector<1x16xf32>
      tpu.vector_store %arg8[%swap3A_45, %swap3A_46], %swap3A_49 {strides = array<i32>} : memref<224x128xf32, #tpu.memory_space<vmem>>, vector<1x16xf32>,
      %swap3A_50 = arith.index_cast %scan3A_30 : i32 to index
      %swap3A_51 = arith.constant 64 : index
      %swap3A_52 = tpu.vector_load %arg8[%swap3A_50, %swap3A_51] {strides = array<i32>} : memref<224x128xf32, #tpu.memory_space<vmem>>, vector<1x16xf32>,
      %swap3A_53 = vector.shape_cast %swap3A_52 : vector<1x16xf32> to vector<16xf32>
      %swap3A_54 = vector.shape_cast %broadcast_in_dim3A_0 : vector<16xf32> to vector<1x16xf32>
      tpu.vector_store %arg8[%swap3A_50, %swap3A_51], %swap3A_54 {strides = array<i32>} : memref<224x128xf32, #tpu.memory_space<vmem>>, vector<1x16xf32>,
      %swap3A_55 = arith.index_cast %scan3A_30 : i32 to index
      %swap3A_56 = arith.constant 80 : index
      %swap3A_57 = tpu.vector_load %arg8[%swap3A_55, %swap3A_56] {strides = array<i32>} : memref<224x128xf32, #tpu.memory_space<vmem>>, vector<1x16xf32>,
      %swap3A_58 = vector.shape_cast %swap3A_57 : vector<1x16xf32> to vector<16xf32>
      %swap3A_59 = vector.shape_cast %broadcast_in_dim3A_0 : vector<16xf32> to vector<1x16xf32>
      tpu.vector_store %arg8[%swap3A_55, %swap3A_56], %swap3A_59 {strides = array<i32>} : memref<224x128xf32, #tpu.memory_space<vmem>>, vector<1x16xf32>,
      %swap3A_60 = arith.index_cast %scan3A_30 : i32 to index
      %swap3A_61 = arith.constant 96 : index
      %swap3A_62 = tpu.vector_load %arg8[%swap3A_60, %swap3A_61] {strides = array<i32>} : memref<224x128xf32, #tpu.memory_space<vmem>>, vector<1x16xf32>,
      %swap3A_63 = vector.shape_cast %swap3A_62 : vector<1x16xf32> to vector<16xf32>
      %swap3A_64 = vector.shape_cast %broadcast_in_dim3A_0 : vector<16xf32> to vector<1x16xf32>
      tpu.vector_store %arg8[%swap3A_60, %swap3A_61], %swap3A_64 {strides = array<i32>} : memref<224x128xf32, #tpu.memory_space<vmem>>, vector<1x16xf32>,
      %swap3A_65 = arith.index_cast %scan3A_30 : i32 to index
      %swap3A_66 = arith.constant 112 : index
      %swap3A_67 = tpu.vector_load %arg8[%swap3A_65, %swap3A_66] {strides = array<i32>} : memref<224x128xf32, #tpu.memory_space<vmem>>, vector<1x16xf32>,
      %swap3A_68 = vector.shape_cast %swap3A_67 : vector<1x16xf32> to vector<16xf32>
      %swap3A_69 = vector.shape_cast %broadcast_in_dim3A_0 : vector<16xf32> to vector<1x16xf32>
      tpu.vector_store %arg8[%swap3A_65, %swap3A_66], %swap3A_69 {strides = array<i32>} : memref<224x128xf32, #tpu.memory_space<vmem>>, vector<1x16xf32>,
    }
    %scan3A_5 = arith.constant 224 : i32
    %mul3A = arith.constant 632 : i32
    %mul3A_6 = arith.muli %arg1, %mul3A : i32
    %add3A = arith.constant 0 : i32
    %add3A_7 = arith.addi %mul3A_6, %add3A : i32
    "tpu.region"() ({
      %run_scoped3A = tpu.sem_alloc : memref<!tpu.dma_semaphore, #tpu.memory_space<semaphore_mem>>
      %dma_start3A = arith.constant 0 : i32
      %dma_start3A_30 = arith.constant 0 : i32
      %dma_start3A_31 = tpu.memref_slice %arg8[%dma_start3A, %dma_start3A_30] : memref<224x128xf32, #tpu.memory_space<vmem>> -> memref<128x128xf32, #tpu.memory_space<vmem>>
      %dma_start3A_32 = arith.constant 0 : i32
      %dma_start3A_33 = tpu.memref_slice %arg9[%add3A_7, %dma_start3A_32] : memref<10112x128xf32, #tpu.memory_space<vmem_shared>> -> memref<128x128xf32, #tpu.memory_space<vmem_shared>>
      %dma_start3A_34 = arith.constant 0 : i32
      %dma_start3A_35 = tpu.memref_slice %arg9[%add3A_7, %dma_start3A_34] : memref<10112x128xf32, #tpu.memory_space<vmem_shared>> -> memref<128x128xf32, #tpu.memory_space<vmem_shared>>
      %dma_start3A_36 = arith.constant 0 : i32
      %dma_start3A_37 = arith.constant 0 : i32
      %dma_start3A_38 = tpu.memref_slice %arg8[%dma_start3A_36, %dma_start3A_37] : memref<224x128xf32, #tpu.memory_space<vmem>> -> memref<128x128xf32, #tpu.memory_space<vmem>>
      tpu.enqueue_dma source(%dma_start3A_38 : memref<128x128xf32, #tpu.memory_space<vmem>>) target(%dma_start3A_35 : memref<128x128xf32, #tpu.memory_space<vmem_shared>>) target_semaphore(%run_scoped3A : memref<!tpu.dma_semaphore, #tpu.memory_space<semaphore_mem>>)
      %dma_wait3A = arith.constant 0 : i32
      %dma_wait3A_39 = arith.constant 0 : i32
      %dma_wait3A_40 = tpu.memref_slice %arg8[%dma_wait3A, %dma_wait3A_39] : memref<224x128xf32, #tpu.memory_space<vmem>> -> memref<128x128xf32, #tpu.memory_space<vmem>>
      %dma_wait3A_41 = arith.constant 0 : i32
      %dma_wait3A_42 = tpu.memref_slice %arg9[%add3A_7, %dma_wait3A_41] : memref<10112x128xf32, #tpu.memory_space<vmem_shared>> -> memref<128x128xf32, #tpu.memory_space<vmem_shared>>
      %dma_wait3A_43 = arith.constant 0 : i32
      %dma_wait3A_44 = tpu.memref_slice %arg9[%add3A_7, %dma_wait3A_43] : memref<10112x128xf32, #tpu.memory_space<vmem_shared>> -> memref<128x128xf32, #tpu.memory_space<vmem_shared>>
      %dma_wait3A_45 = arith.constant 0 : i32
      %dma_wait3A_46 = arith.constant 0 : i32
      %dma_wait3A_47 = tpu.memref_slice %arg8[%dma_wait3A_45, %dma_wait3A_46] : memref<224x128xf32, #tpu.memory_space<vmem>> -> memref<128x128xf32, #tpu.memory_space<vmem>>
      tpu.wait_dma2 semaphore(%run_scoped3A : memref<!tpu.dma_semaphore, #tpu.memory_space<semaphore_mem>>) src(%dma_wait3A_47 : memref<128x128xf32, #tpu.memory_space<vmem>>) dst(%dma_wait3A_44 : memref<128x128xf32, #tpu.memory_space<vmem_shared>>)
      tpu.yield
    }) : () -> ()
    %add3A_8 = arith.constant 128 : i32
    %add3A_9 = arith.addi %mul3A_6, %add3A_8 : i32
    "tpu.region"() ({
      %run_scoped3A = tpu.sem_alloc : memref<!tpu.dma_semaphore, #tpu.memory_space<semaphore_mem>>
      %dma_start3A = arith.constant 0 : i32
      %dma_start3A_30 = arith.constant 0 : i32
      %dma_start3A_31 = tpu.memref_slice %arg8[%dma_start3A, %dma_start3A_30] : memref<224x128xf32, #tpu.memory_space<vmem>> -> memref<128x128xf32, #tpu.memory_space<vmem>>
      %dma_start3A_32 = arith.constant 0 : i32
      %dma_start3A_33 = tpu.memref_slice %arg9[%add3A_9, %dma_start3A_32] : memref<10112x128xf32, #tpu.memory_space<vmem_shared>> -> memref<128x128xf32, #tpu.memory_space<vmem_shared>>
      %dma_start3A_34 = arith.constant 0 : i32
      %dma_start3A_35 = tpu.memref_slice %arg9[%add3A_9, %dma_start3A_34] : memref<10112x128xf32, #tpu.memory_space<vmem_shared>> -> memref<128x128xf32, #tpu.memory_space<vmem_shared>>
      %dma_start3A_36 = arith.constant 0 : i32
      %dma_start3A_37 = arith.constant 0 : i32
      %dma_start3A_38 = tpu.memref_slice %arg8[%dma_start3A_36, %dma_start3A_37] : memref<224x128xf32, #tpu.memory_space<vmem>> -> memref<128x128xf32, #tpu.memory_space<vmem>>
      tpu.enqueue_dma source(%dma_start3A_38 : memref<128x128xf32, #tpu.memory_space<vmem>>) target(%dma_start3A_35 : memref<128x128xf32, #tpu.memory_space<vmem_shared>>) target_semaphore(%run_scoped3A : memref<!tpu.dma_semaphore, #tpu.memory_space<semaphore_mem>>)
      %dma_wait3A = arith.constant 0 : i32
      %dma_wait3A_39 = arith.constant 0 : i32
      %dma_wait3A_40 = tpu.memref_slice %arg8[%dma_wait3A, %dma_wait3A_39] : memref<224x128xf32, #tpu.memory_space<vmem>> -> memref<128x128xf32, #tpu.memory_space<vmem>>
      %dma_wait3A_41 = arith.constant 0 : i32
      %dma_wait3A_42 = tpu.memref_slice %arg9[%add3A_9, %dma_wait3A_41] : memref<10112x128xf32, #tpu.memory_space<vmem_shared>> -> memref<128x128xf32, #tpu.memory_space<vmem_shared>>
      %dma_wait3A_43 = arith.constant 0 : i32
      %dma_wait3A_44 = tpu.memref_slice %arg9[%add3A_9, %dma_wait3A_43] : memref<10112x128xf32, #tpu.memory_space<vmem_shared>> -> memref<128x128xf32, #tpu.memory_space<vmem_shared>>
      %dma_wait3A_45 = arith.constant 0 : i32
      %dma_wait3A_46 = arith.constant 0 : i32
      %dma_wait3A_47 = tpu.memref_slice %arg8[%dma_wait3A_45, %dma_wait3A_46] : memref<224x128xf32, #tpu.memory_space<vmem>> -> memref<128x128xf32, #tpu.memory_space<vmem>>
      tpu.wait_dma2 semaphore(%run_scoped3A : memref<!tpu.dma_semaphore, #tpu.memory_space<semaphore_mem>>) src(%dma_wait3A_47 : memref<128x128xf32, #tpu.memory_space<vmem>>) dst(%dma_wait3A_44 : memref<128x128xf32, #tpu.memory_space<vmem_shared>>)
      tpu.yield
    }) : () -> ()
    %add3A_10 = arith.constant 256 : i32
    %add3A_11 = arith.addi %mul3A_6, %add3A_10 : i32
    "tpu.region"() ({
      %run_scoped3A = tpu.sem_alloc : memref<!tpu.dma_semaphore, #tpu.memory_space<semaphore_mem>>
      %dma_start3A = arith.constant 0 : i32
      %dma_start3A_30 = arith.constant 0 : i32
      %dma_start3A_31 = tpu.memref_slice %arg8[%dma_start3A, %dma_start3A_30] : memref<224x128xf32, #tpu.memory_space<vmem>> -> memref<128x128xf32, #tpu.memory_space<vmem>>
      %dma_start3A_32 = arith.constant 0 : i32
      %dma_start3A_33 = tpu.memref_slice %arg9[%add3A_11, %dma_start3A_32] : memref<10112x128xf32, #tpu.memory_space<vmem_shared>> -> memref<128x128xf32, #tpu.memory_space<vmem_shared>>
      %dma_start3A_34 = arith.constant 0 : i32
      %dma_start3A_35 = tpu.memref_slice %arg9[%add3A_11, %dma_start3A_34] : memref<10112x128xf32, #tpu.memory_space<vmem_shared>> -> memref<128x128xf32, #tpu.memory_space<vmem_shared>>
      %dma_start3A_36 = arith.constant 0 : i32
      %dma_start3A_37 = arith.constant 0 : i32
      %dma_start3A_38 = tpu.memref_slice %arg8[%dma_start3A_36, %dma_start3A_37] : memref<224x128xf32, #tpu.memory_space<vmem>> -> memref<128x128xf32, #tpu.memory_space<vmem>>
      tpu.enqueue_dma source(%dma_start3A_38 : memref<128x128xf32, #tpu.memory_space<vmem>>) target(%dma_start3A_35 : memref<128x128xf32, #tpu.memory_space<vmem_shared>>) target_semaphore(%run_scoped3A : memref<!tpu.dma_semaphore, #tpu.memory_space<semaphore_mem>>)
      %dma_wait3A = arith.constant 0 : i32
      %dma_wait3A_39 = arith.constant 0 : i32
      %dma_wait3A_40 = tpu.memref_slice %arg8[%dma_wait3A, %dma_wait3A_39] : memref<224x128xf32, #tpu.memory_space<vmem>> -> memref<128x128xf32, #tpu.memory_space<vmem>>
      %dma_wait3A_41 = arith.constant 0 : i32
      %dma_wait3A_42 = tpu.memref_slice %arg9[%add3A_11, %dma_wait3A_41] : memref<10112x128xf32, #tpu.memory_space<vmem_shared>> -> memref<128x128xf32, #tpu.memory_space<vmem_shared>>
      %dma_wait3A_43 = arith.constant 0 : i32
      %dma_wait3A_44 = tpu.memref_slice %arg9[%add3A_11, %dma_wait3A_43] : memref<10112x128xf32, #tpu.memory_space<vmem_shared>> -> memref<128x128xf32, #tpu.memory_space<vmem_shared>>
      %dma_wait3A_45 = arith.constant 0 : i32
      %dma_wait3A_46 = arith.constant 0 : i32
      %dma_wait3A_47 = tpu.memref_slice %arg8[%dma_wait3A_45, %dma_wait3A_46] : memref<224x128xf32, #tpu.memory_space<vmem>> -> memref<128x128xf32, #tpu.memory_space<vmem>>
      tpu.wait_dma2 semaphore(%run_scoped3A : memref<!tpu.dma_semaphore, #tpu.memory_space<semaphore_mem>>) src(%dma_wait3A_47 : memref<128x128xf32, #tpu.memory_space<vmem>>) dst(%dma_wait3A_44 : memref<128x128xf32, #tpu.memory_space<vmem_shared>>)
      tpu.yield
    }) : () -> ()
    %add3A_12 = arith.constant 384 : i32
    %add3A_13 = arith.addi %mul3A_6, %add3A_12 : i32
    "tpu.region"() ({
      %run_scoped3A = tpu.sem_alloc : memref<!tpu.dma_semaphore, #tpu.memory_space<semaphore_mem>>
      %dma_start3A = arith.constant 0 : i32
      %dma_start3A_30 = arith.constant 0 : i32
      %dma_start3A_31 = tpu.memref_slice %arg8[%dma_start3A, %dma_start3A_30] : memref<224x128xf32, #tpu.memory_space<vmem>> -> memref<128x128xf32, #tpu.memory_space<vmem>>
      %dma_start3A_32 = arith.constant 0 : i32
      %dma_start3A_33 = tpu.memref_slice %arg9[%add3A_13, %dma_start3A_32] : memref<10112x128xf32, #tpu.memory_space<vmem_shared>> -> memref<128x128xf32, #tpu.memory_space<vmem_shared>>
      %dma_start3A_34 = arith.constant 0 : i32
      %dma_start3A_35 = tpu.memref_slice %arg9[%add3A_13, %dma_start3A_34] : memref<10112x128xf32, #tpu.memory_space<vmem_shared>> -> memref<128x128xf32, #tpu.memory_space<vmem_shared>>
      %dma_start3A_36 = arith.constant 0 : i32
      %dma_start3A_37 = arith.constant 0 : i32
      %dma_start3A_38 = tpu.memref_slice %arg8[%dma_start3A_36, %dma_start3A_37] : memref<224x128xf32, #tpu.memory_space<vmem>> -> memref<128x128xf32, #tpu.memory_space<vmem>>
      tpu.enqueue_dma source(%dma_start3A_38 : memref<128x128xf32, #tpu.memory_space<vmem>>) target(%dma_start3A_35 : memref<128x128xf32, #tpu.memory_space<vmem_shared>>) target_semaphore(%run_scoped3A : memref<!tpu.dma_semaphore, #tpu.memory_space<semaphore_mem>>)
      %dma_wait3A = arith.constant 0 : i32
      %dma_wait3A_39 = arith.constant 0 : i32
      %dma_wait3A_40 = tpu.memref_slice %arg8[%dma_wait3A, %dma_wait3A_39] : memref<224x128xf32, #tpu.memory_space<vmem>> -> memref<128x128xf32, #tpu.memory_space<vmem>>
      %dma_wait3A_41 = arith.constant 0 : i32
      %dma_wait3A_42 = tpu.memref_slice %arg9[%add3A_13, %dma_wait3A_41] : memref<10112x128xf32, #tpu.memory_space<vmem_shared>> -> memref<128x128xf32, #tpu.memory_space<vmem_shared>>
      %dma_wait3A_43 = arith.constant 0 : i32
      %dma_wait3A_44 = tpu.memref_slice %arg9[%add3A_13, %dma_wait3A_43] : memref<10112x128xf32, #tpu.memory_space<vmem_shared>> -> memref<128x128xf32, #tpu.memory_space<vmem_shared>>
      %dma_wait3A_45 = arith.constant 0 : i32
      %dma_wait3A_46 = arith.constant 0 : i32
      %dma_wait3A_47 = tpu.memref_slice %arg8[%dma_wait3A_45, %dma_wait3A_46] : memref<224x128xf32, #tpu.memory_space<vmem>> -> memref<128x128xf32, #tpu.memory_space<vmem>>
      tpu.wait_dma2 semaphore(%run_scoped3A : memref<!tpu.dma_semaphore, #tpu.memory_space<semaphore_mem>>) src(%dma_wait3A_47 : memref<128x128xf32, #tpu.memory_space<vmem>>) dst(%dma_wait3A_44 : memref<128x128xf32, #tpu.memory_space<vmem_shared>>)
      tpu.yield
    }) : () -> ()
    %add3A_14 = arith.constant 512 : i32
    %add3A_15 = arith.addi %mul3A_6, %add3A_14 : i32
    "tpu.region"() ({
      %run_scoped3A = tpu.sem_alloc : memref<!tpu.dma_semaphore, #tpu.memory_space<semaphore_mem>>
      %dma_start3A = arith.constant 0 : i32
      %dma_start3A_30 = arith.constant 0 : i32
      %dma_start3A_31 = tpu.memref_slice %arg8[%dma_start3A, %dma_start3A_30] : memref<224x128xf32, #tpu.memory_space<vmem>> -> memref<120x128xf32, #tpu.memory_space<vmem>>
      %dma_start3A_32 = arith.constant 0 : i32
      %dma_start3A_33 = tpu.memref_slice %arg9[%add3A_15, %dma_start3A_32] : memref<10112x128xf32, #tpu.memory_space<vmem_shared>> -> memref<120x128xf32, #tpu.memory_space<vmem_shared>>
      %dma_start3A_34 = arith.constant 0 : i32
      %dma_start3A_35 = tpu.memref_slice %arg9[%add3A_15, %dma_start3A_34] : memref<10112x128xf32, #tpu.memory_space<vmem_shared>> -> memref<120x128xf32, #tpu.memory_space<vmem_shared>>
      %dma_start3A_36 = arith.constant 0 : i32
      %dma_start3A_37 = arith.constant 0 : i32
      %dma_start3A_38 = tpu.memref_slice %arg8[%dma_start3A_36, %dma_start3A_37] : memref<224x128xf32, #tpu.memory_space<vmem>> -> memref<120x128xf32, #tpu.memory_space<vmem>>
      tpu.enqueue_dma source(%dma_start3A_38 : memref<120x128xf32, #tpu.memory_space<vmem>>) target(%dma_start3A_35 : memref<120x128xf32, #tpu.memory_space<vmem_shared>>) target_semaphore(%run_scoped3A : memref<!tpu.dma_semaphore, #tpu.memory_space<semaphore_mem>>)
      %dma_wait3A = arith.constant 0 : i32
      %dma_wait3A_39 = arith.constant 0 : i32
      %dma_wait3A_40 = tpu.memref_slice %arg8[%dma_wait3A, %dma_wait3A_39] : memref<224x128xf32, #tpu.memory_space<vmem>> -> memref<120x128xf32, #tpu.memory_space<vmem>>
      %dma_wait3A_41 = arith.constant 0 : i32
      %dma_wait3A_42 = tpu.memref_slice %arg9[%add3A_15, %dma_wait3A_41] : memref<10112x128xf32, #tpu.memory_space<vmem_shared>> -> memref<120x128xf32, #tpu.memory_space<vmem_shared>>
      %dma_wait3A_43 = arith.constant 0 : i32
      %dma_wait3A_44 = tpu.memref_slice %arg9[%add3A_15, %dma_wait3A_43] : memref<10112x128xf32, #tpu.memory_space<vmem_shared>> -> memref<120x128xf32, #tpu.memory_space<vmem_shared>>
      %dma_wait3A_45 = arith.constant 0 : i32
      %dma_wait3A_46 = arith.constant 0 : i32
      %dma_wait3A_47 = tpu.memref_slice %arg8[%dma_wait3A_45, %dma_wait3A_46] : memref<224x128xf32, #tpu.memory_space<vmem>> -> memref<120x128xf32, #tpu.memory_space<vmem>>
      tpu.wait_dma2 semaphore(%run_scoped3A : memref<!tpu.dma_semaphore, #tpu.memory_space<semaphore_mem>>) src(%dma_wait3A_47 : memref<120x128xf32, #tpu.memory_space<vmem>>) dst(%dma_wait3A_44 : memref<120x128xf32, #tpu.memory_space<vmem_shared>>)
      tpu.yield
    }) : () -> ()
    %barrier3A = arith.constant 0 : index
    tpu.barrier barrier_id(%barrier3A)
    %mul3A_16 = arith.constant 96 : i32
    %mul3A_17 = arith.muli %arg0, %mul3A_16 : i32
    %eq3A = arith.constant 0 : i32
    %eq3A_18 = arith.cmpi eq, %arg0, %eq3A : i32
    %jit3A = arith.constant 6 : i32
    %jit3A_19 = arith.constant 4 : i32
    %select_n3A = arith.select %eq3A_18, %jit3A, %jit3A_19 : i32
    %while3A = arith.constant 0 : i32
    %while3A_20 = arith.constant 0 : i32
    %while3A_21 = arith.subi %select_n3A, %while3A_20 : i32
    %while3A_22 = arith.addi %while3A_20, %while3A_21 : i32
    %while3A_23 = arith.constant 1 : i32
    %while3A_24 = arith.divsi %while3A_21, %while3A_23 : i32
    %while3A_25 = arith.muli %while3A_24, %while3A_23 : i32
    %while3A_26 = arith.addi %while3A_20, %while3A_25 : i32
    %while3A_27 = arith.constant 1 : i32
    scf.for %while3A_30 = %while3A_20 to %while3A_26 step %while3A_27  : i32 {
      %mul3A_31 = arith.constant 16 : i32
      %mul3A_32 = arith.muli %while3A_30, %mul3A_31 : i32
      %add3A_33 = arith.addi %mul3A_17, %mul3A_32 : i32
      %add3A_34 = arith.addi %add3A_33, %arg1 : i32
      "tpu.region"() ({
        %run_scoped3A = tpu.sem_alloc : memref<!tpu.dma_semaphore, #tpu.memory_space<semaphore_mem>>
        %dma_start3A = arith.constant 0 : i32
        %dma_start3A_41 = tpu.memref_slice %arg3[%add3A_34, %dma_start3A] : memref<160x2016xi32, #tpu.memory_space<hbm>> -> memref<1x2016xi32, #tpu.memory_space<hbm>>
        %dma_start3A_42 = tpu.memref_squeeze %dma_start3A_41 : memref<1x2016xi32, #tpu.memory_space<hbm>> -> memref<2016xi32, #tpu.memory_space<hbm>>
        %dma_start3A_43 = arith.constant 0 : i32
        %dma_start3A_44 = tpu.memref_slice %arg3[%add3A_34, %dma_start3A_43] : memref<160x2016xi32, #tpu.memory_space<hbm>> -> memref<1x2016xi32, #tpu.memory_space<hbm>>
        %dma_start3A_45 = tpu.memref_squeeze %dma_start3A_44 : memref<1x2016xi32, #tpu.memory_space<hbm>> -> memref<2016xi32, #tpu.memory_space<hbm>>
        tpu.enqueue_dma source(%dma_start3A_45 : memref<2016xi32, #tpu.memory_space<hbm>>) target(%arg6 : memref<2016xi32, #tpu.memory_space<vmem>>) target_semaphore(%run_scoped3A : memref<!tpu.dma_semaphore, #tpu.memory_space<semaphore_mem>>)
        %dma_wait3A = arith.constant 0 : i32
        %dma_wait3A_46 = tpu.memref_slice %arg3[%add3A_34, %dma_wait3A] : memref<160x2016xi32, #tpu.memory_space<hbm>> -> memref<1x2016xi32, #tpu.memory_space<hbm>>
        %dma_wait3A_47 = tpu.memref_squeeze %dma_wait3A_46 : memref<1x2016xi32, #tpu.memory_space<hbm>> -> memref<2016xi32, #tpu.memory_space<hbm>>
        %dma_wait3A_48 = arith.constant 0 : i32
        %dma_wait3A_49 = tpu.memref_slice %arg3[%add3A_34, %dma_wait3A_48] : memref<160x2016xi32, #tpu.memory_space<hbm>> -> memref<1x2016xi32, #tpu.memory_space<hbm>>
        %dma_wait3A_50 = tpu.memref_squeeze %dma_wait3A_49 : memref<1x2016xi32, #tpu.memory_space<hbm>> -> memref<2016xi32, #tpu.memory_space<hbm>>
        tpu.wait_dma2 semaphore(%run_scoped3A : memref<!tpu.dma_semaphore, #tpu.memory_space<semaphore_mem>>) src(%dma_wait3A_50 : memref<2016xi32, #tpu.memory_space<hbm>>) dst(%arg6 : memref<2016xi32, #tpu.memory_space<vmem>>)
        tpu.yield
      }) : () -> ()
      "tpu.region"() ({
        %run_scoped3A = tpu.sem_alloc : memref<!tpu.dma_semaphore, #tpu.memory_space<semaphore_mem>>
        %dma_start3A = arith.constant 0 : i32
        %dma_start3A_41 = tpu.memref_slice %arg4[%add3A_34, %dma_start3A] : memref<160x2016xi32, #tpu.memory_space<hbm>> -> memref<1x2016xi32, #tpu.memory_space<hbm>>
        %dma_start3A_42 = tpu.memref_squeeze %dma_start3A_41 : memref<1x2016xi32, #tpu.memory_space<hbm>> -> memref<2016xi32, #tpu.memory_space<hbm>>
        %dma_start3A_43 = arith.constant 0 : i32
        %dma_start3A_44 = tpu.memref_slice %arg4[%add3A_34, %dma_start3A_43] : memref<160x2016xi32, #tpu.memory_space<hbm>> -> memref<1x2016xi32, #tpu.memory_space<hbm>>
        %dma_start3A_45 = tpu.memref_squeeze %dma_start3A_44 : memref<1x2016xi32, #tpu.memory_space<hbm>> -> memref<2016xi32, #tpu.memory_space<hbm>>
        tpu.enqueue_dma source(%dma_start3A_45 : memref<2016xi32, #tpu.memory_space<hbm>>) target(%arg7 : memref<2016xi32, #tpu.memory_space<vmem>>) target_semaphore(%run_scoped3A : memref<!tpu.dma_semaphore, #tpu.memory_space<semaphore_mem>>)
        %dma_wait3A = arith.constant 0 : i32
        %dma_wait3A_46 = tpu.memref_slice %arg4[%add3A_34, %dma_wait3A] : memref<160x2016xi32, #tpu.memory_space<hbm>> -> memref<1x2016xi32, #tpu.memory_space<hbm>>
        %dma_wait3A_47 = tpu.memref_squeeze %dma_wait3A_46 : memref<1x2016xi32, #tpu.memory_space<hbm>> -> memref<2016xi32, #tpu.memory_space<hbm>>
        %dma_wait3A_48 = arith.constant 0 : i32
        %dma_wait3A_49 = tpu.memref_slice %arg4[%add3A_34, %dma_wait3A_48] : memref<160x2016xi32, #tpu.memory_space<hbm>> -> memref<1x2016xi32, #tpu.memory_space<hbm>>
        %dma_wait3A_50 = tpu.memref_squeeze %dma_wait3A_49 : memref<1x2016xi32, #tpu.memory_space<hbm>> -> memref<2016xi32, #tpu.memory_space<hbm>>
        tpu.wait_dma2 semaphore(%run_scoped3A : memref<!tpu.dma_semaphore, #tpu.memory_space<semaphore_mem>>) src(%dma_wait3A_50 : memref<2016xi32, #tpu.memory_space<hbm>>) dst(%arg7 : memref<2016xi32, #tpu.memory_space<vmem>>)
        tpu.yield
      }) : () -> ()
      %scan3A_35 = arith.constant 0 : i32
      %scan3A_36 = arith.constant 0 : i32
      %scan3A_37 = arith.constant 9 : i32
      %scan3A_38 = arith.addi %scan3A_36, %scan3A_37 : i32
      %scan3A_39 = arith.constant 1 : i32
      scf.for %scan3A_41 = %scan3A_36 to %scan3A_38 step %scan3A_39  : i32 {
        %mul3A_42 = arith.constant 224 : i32
        %mul3A_43 = arith.muli %scan3A_41, %mul3A_42 : i32
        %dma_start3A = tpu.memref_slice %arg6[%mul3A_43] : memref<2016xi32, #tpu.memory_space<vmem>> -> memref<224xi32, #tpu.memory_space<vmem>>
        %dma_start3A_44 = arith.constant 0 : i32
        %dma_start3A_45 = arith.constant 0 : i32
        %dma_start3A_46 = tpu.memref_slice %arg2[%dma_start3A_44, %dma_start3A_45] : memref<10000x128xf32, #tpu.memory_space<hbm>> -> memref<10000x128xf32, #tpu.memory_space<hbm>>
        tpu.enqueue_indirect_dma source(%dma_start3A_46 : memref<10000x128xf32, #tpu.memory_space<hbm>>) target(%arg8 : memref<224x128xf32, #tpu.memory_space<vmem>>) offsets(%dma_start3A : memref<224xi32, #tpu.memory_space<vmem>>) semaphore(%arg10 : memref<!tpu.dma_semaphore, #tpu.memory_space<semaphore_mem>>)
        %dma_wait3A = tpu.memref_slice %arg6[%mul3A_43] : memref<2016xi32, #tpu.memory_space<vmem>> -> memref<224xi32, #tpu.memory_space<vmem>>
        %dma_wait3A_47 = arith.constant 0 : i32
        %dma_wait3A_48 = arith.constant 0 : i32
        %dma_wait3A_49 = tpu.memref_slice %arg2[%dma_wait3A_47, %dma_wait3A_48] : memref<10000x128xf32, #tpu.memory_space<hbm>> -> memref<10000x128xf32, #tpu.memory_space<hbm>>
        tpu.wait_indirect_dma semaphore(%arg10 : memref<!tpu.dma_semaphore, #tpu.memory_space<semaphore_mem>>) src(%dma_wait3A_49 : memref<10000x128xf32, #tpu.memory_space<hbm>>) dst(%arg8 : memref<224x128xf32, #tpu.memory_space<vmem>>)
        %mul3A_50 = arith.constant 224 : i32
        %mul3A_51 = arith.muli %scan3A_41, %mul3A_50 : i32
        "tpu.region"() ({
          %run_scoped3A = tpu.sem_alloc : memref<!tpu.dma_semaphore, #tpu.memory_space<semaphore_mem>>
          %dma_start3A_52 = tpu.memref_slice %arg7[%mul3A_51] : memref<2016xi32, #tpu.memory_space<vmem>> -> memref<224xi32, #tpu.memory_space<vmem>>
          %dma_start3A_53 = arith.constant 0 : i32
          %dma_start3A_54 = arith.constant 0 : i32
          %dma_start3A_55 = tpu.memref_slice %arg9[%dma_start3A_53, %dma_start3A_54] : memref<10112x128xf32, #tpu.memory_space<vmem_shared>> -> memref<10112x128xf32, #tpu.memory_space<vmem_shared>>
          tpu.enqueue_indirect_dma source(%arg8 : memref<224x128xf32, #tpu.memory_space<vmem>>) target(%dma_start3A_55 : memref<10112x128xf32, #tpu.memory_space<vmem_shared>>) offsets(%dma_start3A_52 : memref<224xi32, #tpu.memory_space<vmem>>) semaphore(%run_scoped3A : memref<!tpu.dma_semaphore, #tpu.memory_space<semaphore_mem>>) {add = true}
          %dma_wait3A_56 = tpu.memref_slice %arg7[%mul3A_51] : memref<2016xi32, #tpu.memory_space<vmem>> -> memref<224xi32, #tpu.memory_space<vmem>>
          %dma_wait3A_57 = arith.constant 0 : i32
          %dma_wait3A_58 = arith.constant 0 : i32
          %dma_wait3A_59 = tpu.memref_slice %arg9[%dma_wait3A_57, %dma_wait3A_58] : memref<10112x128xf32, #tpu.memory_space<vmem_shared>> -> memref<10112x128xf32, #tpu.memory_space<vmem_shared>>
          tpu.wait_indirect_dma semaphore(%run_scoped3A : memref<!tpu.dma_semaphore, #tpu.memory_space<semaphore_mem>>) src(%arg8 : memref<224x128xf32, #tpu.memory_space<vmem>>) dst(%dma_wait3A_59 : memref<10112x128xf32, #tpu.memory_space<vmem_shared>>)
          tpu.yield
        }) : () -> ()
      }
      %scan3A_40 = arith.constant 9 : i32
    }
    %while3A_28 = arith.constant 1 : i32
    scf.for %while3A_30 = %while3A_26 to %while3A_22 step %while3A_28  : i32 {
      %mul3A_31 = arith.constant 16 : i32
      %mul3A_32 = arith.muli %while3A_30, %mul3A_31 : i32
      %add3A_33 = arith.addi %mul3A_17, %mul3A_32 : i32
      %add3A_34 = arith.addi %add3A_33, %arg1 : i32
      "tpu.region"() ({
        %run_scoped3A = tpu.sem_alloc : memref<!tpu.dma_semaphore, #tpu.memory_space<semaphore_mem>>
        %dma_start3A = arith.constant 0 : i32
        %dma_start3A_41 = tpu.memref_slice %arg3[%add3A_34, %dma_start3A] : memref<160x2016xi32, #tpu.memory_space<hbm>> -> memref<1x2016xi32, #tpu.memory_space<hbm>>
        %dma_start3A_42 = tpu.memref_squeeze %dma_start3A_41 : memref<1x2016xi32, #tpu.memory_space<hbm>> -> memref<2016xi32, #tpu.memory_space<hbm>>
        %dma_start3A_43 = arith.constant 0 : i32
        %dma_start3A_44 = tpu.memref_slice %arg3[%add3A_34, %dma_start3A_43] : memref<160x2016xi32, #tpu.memory_space<hbm>> -> memref<1x2016xi32, #tpu.memory_space<hbm>>
        %dma_start3A_45 = tpu.memref_squeeze %dma_start3A_44 : memref<1x2016xi32, #tpu.memory_space<hbm>> -> memref<2016xi32, #tpu.memory_space<hbm>>
        tpu.enqueue_dma source(%dma_start3A_45 : memref<2016xi32, #tpu.memory_space<hbm>>) target(%arg6 : memref<2016xi32, #tpu.memory_space<vmem>>) target_semaphore(%run_scoped3A : memref<!tpu.dma_semaphore, #tpu.memory_space<semaphore_mem>>)
        %dma_wait3A = arith.constant 0 : i32
        %dma_wait3A_46 = tpu.memref_slice %arg3[%add3A_34, %dma_wait3A] : memref<160x2016xi32, #tpu.memory_space<hbm>> -> memref<1x2016xi32, #tpu.memory_space<hbm>>
        %dma_wait3A_47 = tpu.memref_squeeze %dma_wait3A_46 : memref<1x2016xi32, #tpu.memory_space<hbm>> -> memref<2016xi32, #tpu.memory_space<hbm>>
        %dma_wait3A_48 = arith.constant 0 : i32
        %dma_wait3A_49 = tpu.memref_slice %arg3[%add3A_34, %dma_wait3A_48] : memref<160x2016xi32, #tpu.memory_space<hbm>> -> memref<1x2016xi32, #tpu.memory_space<hbm>>
        %dma_wait3A_50 = tpu.memref_squeeze %dma_wait3A_49 : memref<1x2016xi32, #tpu.memory_space<hbm>> -> memref<2016xi32, #tpu.memory_space<hbm>>
        tpu.wait_dma2 semaphore(%run_scoped3A : memref<!tpu.dma_semaphore, #tpu.memory_space<semaphore_mem>>) src(%dma_wait3A_50 : memref<2016xi32, #tpu.memory_space<hbm>>) dst(%arg6 : memref<2016xi32, #tpu.memory_space<vmem>>)
        tpu.yield
      }) : () -> ()
      "tpu.region"() ({
        %run_scoped3A = tpu.sem_alloc : memref<!tpu.dma_semaphore, #tpu.memory_space<semaphore_mem>>
        %dma_start3A = arith.constant 0 : i32
        %dma_start3A_41 = tpu.memref_slice %arg4[%add3A_34, %dma_start3A] : memref<160x2016xi32, #tpu.memory_space<hbm>> -> memref<1x2016xi32, #tpu.memory_space<hbm>>
        %dma_start3A_42 = tpu.memref_squeeze %dma_start3A_41 : memref<1x2016xi32, #tpu.memory_space<hbm>> -> memref<2016xi32, #tpu.memory_space<hbm>>
        %dma_start3A_43 = arith.constant 0 : i32
        %dma_start3A_44 = tpu.memref_slice %arg4[%add3A_34, %dma_start3A_43] : memref<160x2016xi32, #tpu.memory_space<hbm>> -> memref<1x2016xi32, #tpu.memory_space<hbm>>
        %dma_start3A_45 = tpu.memref_squeeze %dma_start3A_44 : memref<1x2016xi32, #tpu.memory_space<hbm>> -> memref<2016xi32, #tpu.memory_space<hbm>>
        tpu.enqueue_dma source(%dma_start3A_45 : memref<2016xi32, #tpu.memory_space<hbm>>) target(%arg7 : memref<2016xi32, #tpu.memory_space<vmem>>) target_semaphore(%run_scoped3A : memref<!tpu.dma_semaphore, #tpu.memory_space<semaphore_mem>>)
        %dma_wait3A = arith.constant 0 : i32
        %dma_wait3A_46 = tpu.memref_slice %arg4[%add3A_34, %dma_wait3A] : memref<160x2016xi32, #tpu.memory_space<hbm>> -> memref<1x2016xi32, #tpu.memory_space<hbm>>
        %dma_wait3A_47 = tpu.memref_squeeze %dma_wait3A_46 : memref<1x2016xi32, #tpu.memory_space<hbm>> -> memref<2016xi32, #tpu.memory_space<hbm>>
        %dma_wait3A_48 = arith.constant 0 : i32
        %dma_wait3A_49 = tpu.memref_slice %arg4[%add3A_34, %dma_wait3A_48] : memref<160x2016xi32, #tpu.memory_space<hbm>> -> memref<1x2016xi32, #tpu.memory_space<hbm>>
        %dma_wait3A_50 = tpu.memref_squeeze %dma_wait3A_49 : memref<1x2016xi32, #tpu.memory_space<hbm>> -> memref<2016xi32, #tpu.memory_space<hbm>>
        tpu.wait_dma2 semaphore(%run_scoped3A : memref<!tpu.dma_semaphore, #tpu.memory_space<semaphore_mem>>) src(%dma_wait3A_50 : memref<2016xi32, #tpu.memory_space<hbm>>) dst(%arg7 : memref<2016xi32, #tpu.memory_space<vmem>>)
        tpu.yield
      }) : () -> ()
      %scan3A_35 = arith.constant 0 : i32
      %scan3A_36 = arith.constant 0 : i32
      %scan3A_37 = arith.constant 9 : i32
      %scan3A_38 = arith.addi %scan3A_36, %scan3A_37 : i32
      %scan3A_39 = arith.constant 1 : i32
      scf.for %scan3A_41 = %scan3A_36 to %scan3A_38 step %scan3A_39  : i32 {
        %mul3A_42 = arith.constant 224 : i32
        %mul3A_43 = arith.muli %scan3A_41, %mul3A_42 : i32
        %dma_start3A = tpu.memref_slice %arg6[%mul3A_43] : memref<2016xi32, #tpu.memory_space<vmem>> -> memref<224xi32, #tpu.memory_space<vmem>>
        %dma_start3A_44 = arith.constant 0 : i32
        %dma_start3A_45 = arith.constant 0 : i32
        %dma_start3A_46 = tpu.memref_slice %arg2[%dma_start3A_44, %dma_start3A_45] : memref<10000x128xf32, #tpu.memory_space<hbm>> -> memref<10000x128xf32, #tpu.memory_space<hbm>>
        tpu.enqueue_indirect_dma source(%dma_start3A_46 : memref<10000x128xf32, #tpu.memory_space<hbm>>) target(%arg8 : memref<224x128xf32, #tpu.memory_space<vmem>>) offsets(%dma_start3A : memref<224xi32, #tpu.memory_space<vmem>>) semaphore(%arg10 : memref<!tpu.dma_semaphore, #tpu.memory_space<semaphore_mem>>)
        %dma_wait3A = tpu.memref_slice %arg6[%mul3A_43] : memref<2016xi32, #tpu.memory_space<vmem>> -> memref<224xi32, #tpu.memory_space<vmem>>
        %dma_wait3A_47 = arith.constant 0 : i32
        %dma_wait3A_48 = arith.constant 0 : i32
        %dma_wait3A_49 = tpu.memref_slice %arg2[%dma_wait3A_47, %dma_wait3A_48] : memref<10000x128xf32, #tpu.memory_space<hbm>> -> memref<10000x128xf32, #tpu.memory_space<hbm>>
        tpu.wait_indirect_dma semaphore(%arg10 : memref<!tpu.dma_semaphore, #tpu.memory_space<semaphore_mem>>) src(%dma_wait3A_49 : memref<10000x128xf32, #tpu.memory_space<hbm>>) dst(%arg8 : memref<224x128xf32, #tpu.memory_space<vmem>>)
        %mul3A_50 = arith.constant 224 : i32
        %mul3A_51 = arith.muli %scan3A_41, %mul3A_50 : i32
        "tpu.region"() ({
          %run_scoped3A = tpu.sem_alloc : memref<!tpu.dma_semaphore, #tpu.memory_space<semaphore_mem>>
          %dma_start3A_52 = tpu.memref_slice %arg7[%mul3A_51] : memref<2016xi32, #tpu.memory_space<vmem>> -> memref<224xi32, #tpu.memory_space<vmem>>
          %dma_start3A_53 = arith.constant 0 : i32
          %dma_start3A_54 = arith.constant 0 : i32
          %dma_start3A_55 = tpu.memref_slice %arg9[%dma_start3A_53, %dma_start3A_54] : memref<10112x128xf32, #tpu.memory_space<vmem_shared>> -> memref<10112x128xf32, #tpu.memory_space<vmem_shared>>
          tpu.enqueue_indirect_dma source(%arg8 : memref<224x128xf32, #tpu.memory_space<vmem>>) target(%dma_start3A_55 : memref<10112x128xf32, #tpu.memory_space<vmem_shared>>) offsets(%dma_start3A_52 : memref<224xi32, #tpu.memory_space<vmem>>) semaphore(%run_scoped3A : memref<!tpu.dma_semaphore, #tpu.memory_space<semaphore_mem>>) {add = true}
          %dma_wait3A_56 = tpu.memref_slice %arg7[%mul3A_51] : memref<2016xi32, #tpu.memory_space<vmem>> -> memref<224xi32, #tpu.memory_space<vmem>>
          %dma_wait3A_57 = arith.constant 0 : i32
          %dma_wait3A_58 = arith.constant 0 : i32
          %dma_wait3A_59 = tpu.memref_slice %arg9[%dma_wait3A_57, %dma_wait3A_58] : memref<10112x128xf32, #tpu.memory_space<vmem_shared>> -> memref<10112x128xf32, #tpu.memory_space<vmem_shared>>
          tpu.wait_indirect_dma semaphore(%run_scoped3A : memref<!tpu.dma_semaphore, #tpu.memory_space<semaphore_mem>>) src(%arg8 : memref<224x128xf32, #tpu.memory_space<vmem>>) dst(%dma_wait3A_59 : memref<10112x128xf32, #tpu.memory_space<vmem_shared>>)
          tpu.yield
        }) : () -> ()
      }
      %scan3A_40 = arith.constant 9 : i32
    }
    %barrier3A_29 = arith.constant 0 : index
    tpu.barrier barrier_id(%barrier3A_29)
    "tpu.region"() ({
      %run_scoped3A = tpu.sem_alloc : memref<!tpu.dma_semaphore, #tpu.memory_space<semaphore_mem>>
      %dma_start3A = arith.constant 0 : i32
      %dma_start3A_30 = arith.constant 0 : i32
      %dma_start3A_31 = tpu.memref_slice %arg5[%arg0, %arg1, %dma_start3A, %dma_start3A_30] : memref<2x16x632x128xf32, #tpu.memory_space<hbm>> -> memref<1x1x632x128xf32, #tpu.memory_space<hbm>>
      %dma_start3A_32 = tpu.memref_squeeze %dma_start3A_31 : memref<1x1x632x128xf32, #tpu.memory_space<hbm>> -> memref<632x128xf32, #tpu.memory_space<hbm>>
      %dma_start3A_33 = arith.constant 0 : i32
      %dma_start3A_34 = tpu.memref_slice %arg9[%mul3A_6, %dma_start3A_33] : memref<10112x128xf32, #tpu.memory_space<vmem_shared>> -> memref<632x128xf32, #tpu.memory_space<vmem_shared>>
      tpu.enqueue_dma source(%dma_start3A_34 : memref<632x128xf32, #tpu.memory_space<vmem_shared>>) target(%dma_start3A_32 : memref<632x128xf32, #tpu.memory_space<hbm>>) target_semaphore(%run_scoped3A : memref<!tpu.dma_semaphore, #tpu.memory_space<semaphore_mem>>)
      %dma_wait3A = arith.constant 0 : i32
      %dma_wait3A_35 = arith.constant 0 : i32
      %dma_wait3A_36 = tpu.memref_slice %arg5[%arg0, %arg1, %dma_wait3A, %dma_wait3A_35] : memref<2x16x632x128xf32, #tpu.memory_space<hbm>> -> memref<1x1x632x128xf32, #tpu.memory_space<hbm>>
      %dma_wait3A_37 = tpu.memref_squeeze %dma_wait3A_36 : memref<1x1x632x128xf32, #tpu.memory_space<hbm>> -> memref<632x128xf32, #tpu.memory_space<hbm>>
      %dma_wait3A_38 = arith.constant 0 : i32
      %dma_wait3A_39 = tpu.memref_slice %arg9[%mul3A_6, %dma_wait3A_38] : memref<10112x128xf32, #tpu.memory_space<vmem_shared>> -> memref<632x128xf32, #tpu.memory_space<vmem_shared>>
      tpu.wait_dma2 semaphore(%run_scoped3A : memref<!tpu.dma_semaphore, #tpu.memory_space<semaphore_mem>>) src(%dma_wait3A_39 : memref<632x128xf32, #tpu.memory_space<vmem_shared>>) dst(%dma_wait3A_37 : memref<632x128xf32, #tpu.memory_space<hbm>>)
      tpu.yield
    }) : () -> ()
    return
  }
}

#map = affine_map<(d0, d1) -> (0, 0)>
#map1 = affine_map<(d0, d1) -> (0, 0, 0)>
module attributes {stable_mosaic.version = 14 : i64} {
  func.func @deg_body(%arg0: i32, %arg1: i32, %arg2: memref<32x10080xi32, #tpu.memory_space<hbm>>, %arg3: memref<2x16x10112xf32, #tpu.memory_space<hbm>>, %arg4: memref<10080xi32, #tpu.memory_space<vmem>>, %arg5: memref<10112xf32, #tpu.memory_space<vmem>>) attributes {dimension_semantics = [#tpu.dimension_semantics<core_parallel>, #tpu.dimension_semantics<subcore_parallel>], iteration_bounds = array<i64: 2, 16>, scalar_prefetch = 0 : i64, scratch_operands = 2 : i64, tpu.core_type = #tpu.core_type<sc_vector_subcore>, window_params = [{transform_indices = #map}, {transform_indices = #map1}]} {
    %mul3A = arith.constant 16 : i32
    %mul3A_0 = arith.muli %arg0, %mul3A : i32
    %add3A = arith.addi %mul3A_0, %arg1 : i32
    "tpu.region"() ({
      %run_scoped3A = tpu.sem_alloc : memref<!tpu.dma_semaphore, #tpu.memory_space<semaphore_mem>>
      %dma_start3A = arith.constant 0 : i32
      %dma_start3A_15 = tpu.memref_slice %arg2[%add3A, %dma_start3A] : memref<32x10080xi32, #tpu.memory_space<hbm>> -> memref<1x10080xi32, #tpu.memory_space<hbm>>
      %dma_start3A_16 = tpu.memref_squeeze %dma_start3A_15 : memref<1x10080xi32, #tpu.memory_space<hbm>> -> memref<10080xi32, #tpu.memory_space<hbm>>
      %dma_start3A_17 = arith.constant 0 : i32
      %dma_start3A_18 = tpu.memref_slice %arg2[%add3A, %dma_start3A_17] : memref<32x10080xi32, #tpu.memory_space<hbm>> -> memref<1x10080xi32, #tpu.memory_space<hbm>>
      %dma_start3A_19 = tpu.memref_squeeze %dma_start3A_18 : memref<1x10080xi32, #tpu.memory_space<hbm>> -> memref<10080xi32, #tpu.memory_space<hbm>>
      tpu.enqueue_dma source(%dma_start3A_19 : memref<10080xi32, #tpu.memory_space<hbm>>) target(%arg4 : memref<10080xi32, #tpu.memory_space<vmem>>) target_semaphore(%run_scoped3A : memref<!tpu.dma_semaphore, #tpu.memory_space<semaphore_mem>>)
      %dma_wait3A = arith.constant 0 : i32
      %dma_wait3A_20 = tpu.memref_slice %arg2[%add3A, %dma_wait3A] : memref<32x10080xi32, #tpu.memory_space<hbm>> -> memref<1x10080xi32, #tpu.memory_space<hbm>>
      %dma_wait3A_21 = tpu.memref_squeeze %dma_wait3A_20 : memref<1x10080xi32, #tpu.memory_space<hbm>> -> memref<10080xi32, #tpu.memory_space<hbm>>
      %dma_wait3A_22 = arith.constant 0 : i32
      %dma_wait3A_23 = tpu.memref_slice %arg2[%add3A, %dma_wait3A_22] : memref<32x10080xi32, #tpu.memory_space<hbm>> -> memref<1x10080xi32, #tpu.memory_space<hbm>>
      %dma_wait3A_24 = tpu.memref_squeeze %dma_wait3A_23 : memref<1x10080xi32, #tpu.memory_space<hbm>> -> memref<10080xi32, #tpu.memory_space<hbm>>
      tpu.wait_dma2 semaphore(%run_scoped3A : memref<!tpu.dma_semaphore, #tpu.memory_space<semaphore_mem>>) src(%dma_wait3A_24 : memref<10080xi32, #tpu.memory_space<hbm>>) dst(%arg4 : memref<10080xi32, #tpu.memory_space<vmem>>)
      tpu.yield
    }) : () -> ()
    %broadcast_in_dim3A = arith.constant 0.000000e+00 : f32
    %broadcast_in_dim3A_1 = vector.broadcast %broadcast_in_dim3A : f32 to vector<16xf32>
    %scan3A = arith.constant 0 : i32
    %scan3A_2 = arith.constant 0 : i32
    %scan3A_3 = arith.constant 632 : i32
    %scan3A_4 = arith.addi %scan3A_2, %scan3A_3 : i32
    %scan3A_5 = arith.constant 1 : i32
    scf.for %scan3A_15 = %scan3A_2 to %scan3A_4 step %scan3A_5  : i32 {
      %mul3A_16 = arith.constant 16 : i32
      %mul3A_17 = arith.muli %scan3A_15, %mul3A_16 : i32
      %swap3A = arith.index_cast %mul3A_17 : i32 to index
      %swap3A_18 = tpu.vector_load %arg5[%swap3A] {strides = array<i32>} : memref<10112xf32, #tpu.memory_space<vmem>>, vector<16xf32>,
      tpu.vector_store %arg5[%swap3A], %broadcast_in_dim3A_1 {strides = array<i32>} : memref<10112xf32, #tpu.memory_space<vmem>>, vector<16xf32>,
    }
    %scan3A_6 = arith.constant 632 : i32
    %broadcast_in_dim3A_7 = arith.constant 1.000000e+00 : f32
    %broadcast_in_dim3A_8 = vector.broadcast %broadcast_in_dim3A_7 : f32 to vector<16xf32>
    %scan3A_9 = arith.constant 0 : i32
    %scan3A_10 = arith.constant 0 : i32
    %scan3A_11 = arith.constant 630 : i32
    %scan3A_12 = arith.addi %scan3A_10, %scan3A_11 : i32
    %scan3A_13 = arith.constant 1 : i32
    scf.for %scan3A_15 = %scan3A_10 to %scan3A_12 step %scan3A_13  : i32 {
      %mul3A_16 = arith.constant 16 : i32
      %mul3A_17 = arith.muli %scan3A_15, %mul3A_16 : i32
      %get3A = arith.index_cast %mul3A_17 : i32 to index
      %get3A_18 = tpu.vector_load %arg4[%get3A] {strides = array<i32>} : memref<10080xi32, #tpu.memory_space<vmem>>, vector<16xi32>,
      tpu.vector_store_idx %arg5[%get3A_18], %broadcast_in_dim3A_8 {add = true} : memref<10112xf32, #tpu.memory_space<vmem>>[vector<16xi32>], vector<16xf32>,
    }
    %scan3A_14 = arith.constant 630 : i32
    "tpu.region"() ({
      %run_scoped3A = tpu.sem_alloc : memref<!tpu.dma_semaphore, #tpu.memory_space<semaphore_mem>>
      %dma_start3A = arith.constant 0 : i32
      %dma_start3A_15 = tpu.memref_slice %arg3[%arg0, %arg1, %dma_start3A] : memref<2x16x10112xf32, #tpu.memory_space<hbm>> -> memref<1x1x10112xf32, #tpu.memory_space<hbm>>
      %dma_start3A_16 = tpu.memref_squeeze %dma_start3A_15 : memref<1x1x10112xf32, #tpu.memory_space<hbm>> -> memref<10112xf32, #tpu.memory_space<hbm>>
      %dma_start3A_17 = arith.constant 0 : i32
      %dma_start3A_18 = tpu.memref_slice %arg3[%arg0, %arg1, %dma_start3A_17] : memref<2x16x10112xf32, #tpu.memory_space<hbm>> -> memref<1x1x10112xf32, #tpu.memory_space<hbm>>
      %dma_start3A_19 = tpu.memref_squeeze %dma_start3A_18 : memref<1x1x10112xf32, #tpu.memory_space<hbm>> -> memref<10112xf32, #tpu.memory_space<hbm>>
      tpu.enqueue_dma source(%arg5 : memref<10112xf32, #tpu.memory_space<vmem>>) target(%dma_start3A_19 : memref<10112xf32, #tpu.memory_space<hbm>>) target_semaphore(%run_scoped3A : memref<!tpu.dma_semaphore, #tpu.memory_space<semaphore_mem>>)
      %dma_wait3A = arith.constant 0 : i32
      %dma_wait3A_20 = tpu.memref_slice %arg3[%arg0, %arg1, %dma_wait3A] : memref<2x16x10112xf32, #tpu.memory_space<hbm>> -> memref<1x1x10112xf32, #tpu.memory_space<hbm>>
      %dma_wait3A_21 = tpu.memref_squeeze %dma_wait3A_20 : memref<1x1x10112xf32, #tpu.memory_space<hbm>> -> memref<10112xf32, #tpu.memory_space<hbm>>
      %dma_wait3A_22 = arith.constant 0 : i32
      %dma_wait3A_23 = tpu.memref_slice %arg3[%arg0, %arg1, %dma_wait3A_22] : memref<2x16x10112xf32, #tpu.memory_space<hbm>> -> memref<1x1x10112xf32, #tpu.memory_space<hbm>>
      %dma_wait3A_24 = tpu.memref_squeeze %dma_wait3A_23 : memref<1x1x10112xf32, #tpu.memory_space<hbm>> -> memref<10112xf32, #tpu.memory_space<hbm>>
      tpu.wait_dma2 semaphore(%run_scoped3A : memref<!tpu.dma_semaphore, #tpu.memory_space<semaphore_mem>>) src(%arg5 : memref<10112xf32, #tpu.memory_space<vmem>>) dst(%dma_wait3A_24 : memref<10112xf32, #tpu.memory_space<hbm>>)
      tpu.yield
    }) : () -> ()
    return
  }
}

module attributes {stable_mosaic.version = 14 : i64} {
  func.func @_tc_prep_body(%arg0: i32, %arg1: memref<32x1000x1xf32, #tpu.memory_space<vmem>>, %arg2: memref<1000x128xf32, #tpu.memory_space<vmem>>, %arg3: memref<1000x128xf32, #tpu.memory_space<vmem>>, %arg4: memref<1000x128xf32, #tpu.memory_space<vmem>>) attributes {dimension_semantics = [#tpu.dimension_semantics<arbitrary>], iteration_bounds = array<i64: 10>, scalar_prefetch = 0 : i64, scratch_operands = 0 : i64, tpu.core_type = #tpu.core_type<tc>, window_params = [{transform_indices = @transform_0, window_bounds = array<i64: 32, 1000, 1>}, {transform_indices = @transform_1, window_bounds = array<i64: 1000, 128>}, {transform_indices = @transform_2, window_bounds = array<i64: 1000, 128>}, {transform_indices = @transform_3, window_bounds = array<i64: 1000, 128>}]} {
    %get3A = arith.constant 0 : index
    %get3A_0 = arith.constant 0 : index
    %get3A_1 = arith.constant 0 : index
    %get3A_2 = vector.load %arg1[%get3A, %get3A_0, %get3A_1] : memref<32x1000x1xf32, #tpu.memory_space<vmem>>, vector<32x1000x1xf32>
    %reduce_sum3A = arith.constant dense<0.000000e+00> : vector<1000x1xf32>
    %reduce_sum3A_3 = vector.multi_reduction <add>, %get3A_2, %reduce_sum3A [0] : vector<32x1000x1xf32> to vector<1000x1xf32>
    %gt3A = arith.constant 0.000000e+00 : f32
    %gt3A_4 = vector.broadcast %gt3A : f32 to vector<1000x1xf32>
    %gt3A_5 = arith.cmpf ogt, %reduce_sum3A_3, %gt3A_4 : vector<1000x1xf32>
    %max3A = arith.constant 9.99999996E-13 : f32
    %max3A_6 = vector.broadcast %max3A : f32 to vector<1000x1xf32>
    %max3A_7 = arith.maximumf %reduce_sum3A_3, %max3A_6 : vector<1000x1xf32>
    %rsqrt3A = math.rsqrt %max3A_7 : vector<1000x1xf32>
    %jit3A = arith.constant 0.000000e+00 : f32
    %broadcast_in_dim3A = vector.broadcast %jit3A : f32 to vector<1000x1xf32>
    %select_n3A = arith.select %gt3A_5, %rsqrt3A, %broadcast_in_dim3A : vector<1000x1xi1>, vector<1000x1xf32>
    %broadcast_in_dim3A_8 = vector.shape_cast %select_n3A : vector<1000x1xf32> to vector<1000x1xf32>
    %broadcast_in_dim3A_9 = vector.broadcast %broadcast_in_dim3A_8 : vector<1000x1xf32> to vector<1000x128xf32>
    %swap3A = arith.constant 0 : index
    %swap3A_10 = arith.constant 0 : index
    %swap3A_11 = vector.load %arg3[%swap3A, %swap3A_10] : memref<1000x128xf32, #tpu.memory_space<vmem>>, vector<1000x128xf32>
    tpu.vector_store %arg3[%swap3A, %swap3A_10], %broadcast_in_dim3A_9 {strides = array<i32>} : memref<1000x128xf32, #tpu.memory_space<vmem>>, vector<1000x128xf32>,
    %get3A_12 = arith.constant 0 : index
    %get3A_13 = arith.constant 0 : index
    %get3A_14 = vector.load %arg2[%get3A_12, %get3A_13] : memref<1000x128xf32, #tpu.memory_space<vmem>>, vector<1000x128xf32>
    %mul3A = arith.mulf %broadcast_in_dim3A_9, %get3A_14 : vector<1000x128xf32>
    %swap3A_15 = arith.constant 0 : index
    %swap3A_16 = arith.constant 0 : index
    %swap3A_17 = vector.load %arg4[%swap3A_15, %swap3A_16] : memref<1000x128xf32, #tpu.memory_space<vmem>>, vector<1000x128xf32>
    tpu.vector_store %arg4[%swap3A_15, %swap3A_16], %mul3A {strides = array<i32>} : memref<1000x128xf32, #tpu.memory_space<vmem>>, vector<1000x128xf32>,
    return
  }
  func.func @transform_0(%arg0: i32) -> (i32, i32, i32) {
    %c0_i32 = arith.constant 0 : i32
    %c0_i32_0 = arith.constant 0 : i32
    %c0_i32_1 = arith.constant 0 : i32
    return %c0_i32, %arg0, %c0_i32_0 : i32, i32, i32
  }
  func.func @transform_1(%arg0: i32) -> (i32, i32) {
    %c0_i32 = arith.constant 0 : i32
    %c0_i32_0 = arith.constant 0 : i32
    return %arg0, %c0_i32 : i32, i32
  }
  func.func @transform_2(%arg0: i32) -> (i32, i32) {
    %c0_i32 = arith.constant 0 : i32
    %c0_i32_0 = arith.constant 0 : i32
    return %arg0, %c0_i32 : i32, i32
  }
  func.func @transform_3(%arg0: i32) -> (i32, i32) {
    %c0_i32 = arith.constant 0 : i32
    %c0_i32_0 = arith.constant 0 : i32
    return %arg0, %c0_i32 : i32, i32
  }
}

module attributes {stable_mosaic.version = 14 : i64} {
  func.func @_tc_layer_a_body(%arg0: i32, %arg1: memref<1000x128xf32, #tpu.memory_space<vmem>>, %arg2: memref<1000x128xf32, #tpu.memory_space<vmem>>, %arg3: memref<1000x128xf32, #tpu.memory_space<vmem>>, %arg4: memref<1000x128xf32, #tpu.memory_space<vmem>>, %arg5: memref<128x128xf32, #tpu.memory_space<vmem>>, %arg6: memref<128x128xf32, #tpu.memory_space<vmem>>, %arg7: memref<1x128xf32, #tpu.memory_space<vmem>>, %arg8: memref<1x128xf32, #tpu.memory_space<vmem>>, %arg9: memref<1x128xf32, #tpu.memory_space<vmem>>, %arg10: memref<1000x128xf32, #tpu.memory_space<vmem>>, %arg11: memref<1000x128xf32, #tpu.memory_space<vmem>>) attributes {dimension_semantics = [#tpu.dimension_semantics<arbitrary>], iteration_bounds = array<i64: 10>, scalar_prefetch = 0 : i64, scratch_operands = 0 : i64, tpu.core_type = #tpu.core_type<tc>, window_params = [{transform_indices = @transform_0, window_bounds = array<i64: 1000, 128>}, {transform_indices = @transform_1, window_bounds = array<i64: 1000, 128>}, {transform_indices = @transform_2, window_bounds = array<i64: 1000, 128>}, {transform_indices = @transform_3, window_bounds = array<i64: 1000, 128>}, {pipeline_mode = #tpu.pipeline_mode<synchronous>, transform_indices = @transform_4, window_bounds = array<i64: 128, 128>}, {pipeline_mode = #tpu.pipeline_mode<synchronous>, transform_indices = @transform_5, window_bounds = array<i64: 128, 128>}, {pipeline_mode = #tpu.pipeline_mode<synchronous>, transform_indices = @transform_6, window_bounds = array<i64: 1, 128>}, {pipeline_mode = #tpu.pipeline_mode<synchronous>, transform_indices = @transform_7, window_bounds = array<i64: 1, 128>}, {pipeline_mode = #tpu.pipeline_mode<synchronous>, transform_indices = @transform_8, window_bounds = array<i64: 1, 128>}, {transform_indices = @transform_9, window_bounds = array<i64: 1000, 128>}, {transform_indices = @transform_10, window_bounds = array<i64: 1000, 128>}]} {
    %get3A = arith.constant 0 : index
    %get3A_0 = arith.constant 0 : index
    %get3A_1 = vector.load %arg1[%get3A, %get3A_0] : memref<1000x128xf32, #tpu.memory_space<vmem>>, vector<1000x128xf32>
    %get3A_2 = arith.constant 0 : index
    %get3A_3 = arith.constant 0 : index
    %get3A_4 = vector.load %arg4[%get3A_2, %get3A_3] : memref<1000x128xf32, #tpu.memory_space<vmem>>, vector<1000x128xf32>
    %neg3A = arith.constant 0.000000e+00 : f32
    %neg3A_5 = vector.broadcast %neg3A : f32 to vector<1000x128xf32>
    %neg3A_6 = arith.subf %neg3A_5, %get3A_4 : vector<1000x128xf32>
    %get3A_7 = arith.constant 0 : index
    %get3A_8 = arith.constant 0 : index
    %get3A_9 = vector.load %arg2[%get3A_7, %get3A_8] : memref<1000x128xf32, #tpu.memory_space<vmem>>, vector<1000x128xf32>
    %get3A_10 = arith.constant 0 : index
    %get3A_11 = arith.constant 0 : index
    %get3A_12 = vector.load %arg3[%get3A_10, %get3A_11] : memref<1000x128xf32, #tpu.memory_space<vmem>>, vector<1000x128xf32>
    %add3A = arith.addf %get3A_9, %get3A_12 : vector<1000x128xf32>
    %mul3A = arith.mulf %neg3A_6, %add3A : vector<1000x128xf32>
    %get3A_13 = arith.constant 0 : index
    %get3A_14 = arith.constant 0 : index
    %get3A_15 = vector.load %arg5[%get3A_13, %get3A_14] : memref<128x128xf32, #tpu.memory_space<vmem>>, vector<128x128xf32>
    %dot_general3A = arith.constant dense<0.000000e+00> : vector<1000x128xf32>
    %dot_general3A_16 = tpu.matmul %get3A_1, %get3A_15, %dot_general3A {dimension_numbers = #tpu.dot_dimension_numbers<[1], [0], [0], [1], [0, 0, 1, 1], [], []>, transpose_lhs_hint = false} : vector<1000x128xf32>, vector<128x128xf32>, vector<1000x128xf32> -> vector<1000x128xf32>
    %get3A_17 = arith.constant 0 : index
    %get3A_18 = arith.constant 0 : index
    %get3A_19 = vector.load %arg6[%get3A_17, %get3A_18] : memref<128x128xf32, #tpu.memory_space<vmem>>, vector<128x128xf32>
    %dot_general3A_20 = arith.constant dense<0.000000e+00> : vector<1000x128xf32>
    %dot_general3A_21 = tpu.matmul %mul3A, %get3A_19, %dot_general3A_20 {dimension_numbers = #tpu.dot_dimension_numbers<[1], [0], [0], [1], [0, 0, 1, 1], [], []>, transpose_lhs_hint = false} : vector<1000x128xf32>, vector<128x128xf32>, vector<1000x128xf32> -> vector<1000x128xf32>
    %add3A_22 = arith.addf %dot_general3A_16, %dot_general3A_21 : vector<1000x128xf32>
    %get3A_23 = arith.constant 0 : index
    %get3A_24 = arith.constant 0 : index
    %get3A_25 = vector.load %arg7[%get3A_23, %get3A_24] : memref<1x128xf32, #tpu.memory_space<vmem>>, vector<1x128xf32>
    %add3A_26 = vector.broadcast %get3A_25 : vector<1x128xf32> to vector<1000x128xf32>
    %add3A_27 = arith.addf %add3A_22, %add3A_26 : vector<1000x128xf32>
    %reduce_sum3A = arith.constant dense<0.000000e+00> : vector<1000xf32>
    %reduce_sum3A_28 = vector.multi_reduction <add>, %add3A_27, %reduce_sum3A [1] : vector<1000x128xf32> to vector<1000xf32>
    %broadcast_in_dim3A = vector.shape_cast %reduce_sum3A_28 : vector<1000xf32> to vector<1000x1xf32>
    %div3A = arith.constant 1.280000e+02 : f32
    %div3A_29 = vector.broadcast %div3A : f32 to vector<1000x1xf32>
    %div3A_30 = arith.divf %broadcast_in_dim3A, %div3A_29 : vector<1000x1xf32>
    %sub3A = vector.broadcast %div3A_30 : vector<1000x1xf32> to vector<1000x128xf32>
    %sub3A_31 = arith.subf %add3A_27, %sub3A : vector<1000x128xf32>
    %sub3A_32 = vector.broadcast %div3A_30 : vector<1000x1xf32> to vector<1000x128xf32>
    %sub3A_33 = arith.subf %add3A_27, %sub3A_32 : vector<1000x128xf32>
    %mul3A_34 = arith.mulf %sub3A_31, %sub3A_33 : vector<1000x128xf32>
    %reduce_sum3A_35 = arith.constant dense<0.000000e+00> : vector<1000xf32>
    %reduce_sum3A_36 = vector.multi_reduction <add>, %mul3A_34, %reduce_sum3A_35 [1] : vector<1000x128xf32> to vector<1000xf32>
    %broadcast_in_dim3A_37 = vector.shape_cast %reduce_sum3A_36 : vector<1000xf32> to vector<1000x1xf32>
    %div3A_38 = arith.constant 1.280000e+02 : f32
    %div3A_39 = vector.broadcast %div3A_38 : f32 to vector<1000x1xf32>
    %div3A_40 = arith.divf %broadcast_in_dim3A_37, %div3A_39 : vector<1000x1xf32>
    %sub3A_41 = vector.broadcast %div3A_30 : vector<1000x1xf32> to vector<1000x128xf32>
    %sub3A_42 = arith.subf %add3A_27, %sub3A_41 : vector<1000x128xf32>
    %add3A_43 = arith.constant 9.99999974E-6 : f32
    %add3A_44 = vector.broadcast %add3A_43 : f32 to vector<1000x1xf32>
    %add3A_45 = arith.addf %div3A_40, %add3A_44 : vector<1000x1xf32>
    %sqrt3A = math.sqrt %add3A_45 : vector<1000x1xf32>
    %div3A_46 = vector.broadcast %sqrt3A : vector<1000x1xf32> to vector<1000x128xf32>
    %div3A_47 = arith.divf %sub3A_42, %div3A_46 : vector<1000x128xf32>
    %get3A_48 = arith.constant 0 : index
    %get3A_49 = arith.constant 0 : index
    %get3A_50 = vector.load %arg8[%get3A_48, %get3A_49] : memref<1x128xf32, #tpu.memory_space<vmem>>, vector<1x128xf32>
    %mul3A_51 = vector.broadcast %get3A_50 : vector<1x128xf32> to vector<1000x128xf32>
    %mul3A_52 = arith.mulf %div3A_47, %mul3A_51 : vector<1000x128xf32>
    %get3A_53 = arith.constant 0 : index
    %get3A_54 = arith.constant 0 : index
    %get3A_55 = vector.load %arg9[%get3A_53, %get3A_54] : memref<1x128xf32, #tpu.memory_space<vmem>>, vector<1x128xf32>
    %add3A_56 = vector.broadcast %get3A_55 : vector<1x128xf32> to vector<1000x128xf32>
    %add3A_57 = arith.addf %mul3A_52, %add3A_56 : vector<1000x128xf32>
    %ge3A = arith.constant 0.000000e+00 : f32
    %ge3A_58 = vector.broadcast %ge3A : f32 to vector<1000x128xf32>
    %ge3A_59 = arith.cmpf oge, %add3A_57, %ge3A_58 : vector<1000x128xf32>
    %mul3A_60 = arith.constant 0.00999999977 : f32
    %mul3A_61 = vector.broadcast %mul3A_60 : f32 to vector<1000x128xf32>
    %mul3A_62 = arith.mulf %mul3A_61, %add3A_57 : vector<1000x128xf32>
    %select_n3A = arith.select %ge3A_59, %add3A_57, %mul3A_62 : vector<1000x128xi1>, vector<1000x128xf32>
    %swap3A = arith.constant 0 : index
    %swap3A_63 = arith.constant 0 : index
    %swap3A_64 = vector.load %arg10[%swap3A, %swap3A_63] : memref<1000x128xf32, #tpu.memory_space<vmem>>, vector<1000x128xf32>
    tpu.vector_store %arg10[%swap3A, %swap3A_63], %select_n3A {strides = array<i32>} : memref<1000x128xf32, #tpu.memory_space<vmem>>, vector<1000x128xf32>,
    %mul3A_65 = arith.mulf %get3A_4, %select_n3A : vector<1000x128xf32>
    %swap3A_66 = arith.constant 0 : index
    %swap3A_67 = arith.constant 0 : index
    %swap3A_68 = vector.load %arg11[%swap3A_66, %swap3A_67] : memref<1000x128xf32, #tpu.memory_space<vmem>>, vector<1000x128xf32>
    tpu.vector_store %arg11[%swap3A_66, %swap3A_67], %mul3A_65 {strides = array<i32>} : memref<1000x128xf32, #tpu.memory_space<vmem>>, vector<1000x128xf32>,
    return
  }
  func.func @transform_0(%arg0: i32) -> (i32, i32) {
    %c0_i32 = arith.constant 0 : i32
    %c0_i32_0 = arith.constant 0 : i32
    return %arg0, %c0_i32 : i32, i32
  }
  func.func @transform_1(%arg0: i32) -> (i32, i32) {
    %c0_i32 = arith.constant 0 : i32
    %c0_i32_0 = arith.constant 0 : i32
    return %arg0, %c0_i32 : i32, i32
  }
  func.func @transform_2(%arg0: i32) -> (i32, i32) {
    %c0_i32 = arith.constant 0 : i32
    %c0_i32_0 = arith.constant 0 : i32
    return %arg0, %c0_i32 : i32, i32
  }
  func.func @transform_3(%arg0: i32) -> (i32, i32) {
    %c0_i32 = arith.constant 0 : i32
    %c0_i32_0 = arith.constant 0 : i32
    return %arg0, %c0_i32 : i32, i32
  }
  func.func @transform_4(%arg0: i32) -> (i32, i32) {
    %c0_i32 = arith.constant 0 : i32
    %c0_i32_0 = arith.constant 0 : i32
    %c0_i32_1 = arith.constant 0 : i32
    return %c0_i32, %c0_i32_0 : i32, i32
  }
  func.func @transform_5(%arg0: i32) -> (i32, i32) {
    %c0_i32 = arith.constant 0 : i32
    %c0_i32_0 = arith.constant 0 : i32
    %c0_i32_1 = arith.constant 0 : i32
    return %c0_i32, %c0_i32_0 : i32, i32
  }
  func.func @transform_6(%arg0: i32) -> (i32, i32) {
    %c0_i32 = arith.constant 0 : i32
    %c0_i32_0 = arith.constant 0 : i32
    %c0_i32_1 = arith.constant 0 : i32
    return %c0_i32, %c0_i32_0 : i32, i32
  }
  func.func @transform_7(%arg0: i32) -> (i32, i32) {
    %c0_i32 = arith.constant 0 : i32
    %c0_i32_0 = arith.constant 0 : i32
    %c0_i32_1 = arith.constant 0 : i32
    return %c0_i32, %c0_i32_0 : i32, i32
  }
  func.func @transform_8(%arg0: i32) -> (i32, i32) {
    %c0_i32 = arith.constant 0 : i32
    %c0_i32_0 = arith.constant 0 : i32
    %c0_i32_1 = arith.constant 0 : i32
    return %c0_i32, %c0_i32_0 : i32, i32
  }
  func.func @transform_9(%arg0: i32) -> (i32, i32) {
    %c0_i32 = arith.constant 0 : i32
    %c0_i32_0 = arith.constant 0 : i32
    return %arg0, %c0_i32 : i32, i32
  }
  func.func @transform_10(%arg0: i32) -> (i32, i32) {
    %c0_i32 = arith.constant 0 : i32
    %c0_i32_0 = arith.constant 0 : i32
    return %arg0, %c0_i32 : i32, i32
  }
}

module attributes {stable_mosaic.version = 14 : i64} {
  func.func @_tc_layer_b_body(%arg0: i32, %arg1: memref<1000x128xf32, #tpu.memory_space<vmem>>, %arg2: memref<1000x128xf32, #tpu.memory_space<vmem>>, %arg3: memref<1000x128xf32, #tpu.memory_space<vmem>>, %arg4: memref<1000x128xf32, #tpu.memory_space<vmem>>, %arg5: memref<128x128xf32, #tpu.memory_space<vmem>>, %arg6: memref<128x128xf32, #tpu.memory_space<vmem>>, %arg7: memref<1x128xf32, #tpu.memory_space<vmem>>, %arg8: memref<1000x128xf32, #tpu.memory_space<vmem>>) attributes {dimension_semantics = [#tpu.dimension_semantics<arbitrary>], iteration_bounds = array<i64: 10>, scalar_prefetch = 0 : i64, scratch_operands = 0 : i64, tpu.core_type = #tpu.core_type<tc>, window_params = [{transform_indices = @transform_0, window_bounds = array<i64: 1000, 128>}, {transform_indices = @transform_1, window_bounds = array<i64: 1000, 128>}, {transform_indices = @transform_2, window_bounds = array<i64: 1000, 128>}, {transform_indices = @transform_3, window_bounds = array<i64: 1000, 128>}, {pipeline_mode = #tpu.pipeline_mode<synchronous>, transform_indices = @transform_4, window_bounds = array<i64: 128, 128>}, {pipeline_mode = #tpu.pipeline_mode<synchronous>, transform_indices = @transform_5, window_bounds = array<i64: 128, 128>}, {pipeline_mode = #tpu.pipeline_mode<synchronous>, transform_indices = @transform_6, window_bounds = array<i64: 1, 128>}, {transform_indices = @transform_7, window_bounds = array<i64: 1000, 128>}]} {
    %get3A = arith.constant 0 : index
    %get3A_0 = arith.constant 0 : index
    %get3A_1 = vector.load %arg1[%get3A, %get3A_0] : memref<1000x128xf32, #tpu.memory_space<vmem>>, vector<1000x128xf32>
    %get3A_2 = arith.constant 0 : index
    %get3A_3 = arith.constant 0 : index
    %get3A_4 = vector.load %arg4[%get3A_2, %get3A_3] : memref<1000x128xf32, #tpu.memory_space<vmem>>, vector<1000x128xf32>
    %neg3A = arith.constant 0.000000e+00 : f32
    %neg3A_5 = vector.broadcast %neg3A : f32 to vector<1000x128xf32>
    %neg3A_6 = arith.subf %neg3A_5, %get3A_4 : vector<1000x128xf32>
    %get3A_7 = arith.constant 0 : index
    %get3A_8 = arith.constant 0 : index
    %get3A_9 = vector.load %arg2[%get3A_7, %get3A_8] : memref<1000x128xf32, #tpu.memory_space<vmem>>, vector<1000x128xf32>
    %get3A_10 = arith.constant 0 : index
    %get3A_11 = arith.constant 0 : index
    %get3A_12 = vector.load %arg3[%get3A_10, %get3A_11] : memref<1000x128xf32, #tpu.memory_space<vmem>>, vector<1000x128xf32>
    %add3A = arith.addf %get3A_9, %get3A_12 : vector<1000x128xf32>
    %mul3A = arith.mulf %neg3A_6, %add3A : vector<1000x128xf32>
    %get3A_13 = arith.constant 0 : index
    %get3A_14 = arith.constant 0 : index
    %get3A_15 = vector.load %arg5[%get3A_13, %get3A_14] : memref<128x128xf32, #tpu.memory_space<vmem>>, vector<128x128xf32>
    %dot_general3A = arith.constant dense<0.000000e+00> : vector<1000x128xf32>
    %dot_general3A_16 = tpu.matmul %get3A_1, %get3A_15, %dot_general3A {dimension_numbers = #tpu.dot_dimension_numbers<[1], [0], [0], [1], [0, 0, 1, 1], [], []>, transpose_lhs_hint = false} : vector<1000x128xf32>, vector<128x128xf32>, vector<1000x128xf32> -> vector<1000x128xf32>
    %get3A_17 = arith.constant 0 : index
    %get3A_18 = arith.constant 0 : index
    %get3A_19 = vector.load %arg6[%get3A_17, %get3A_18] : memref<128x128xf32, #tpu.memory_space<vmem>>, vector<128x128xf32>
    %dot_general3A_20 = arith.constant dense<0.000000e+00> : vector<1000x128xf32>
    %dot_general3A_21 = tpu.matmul %mul3A, %get3A_19, %dot_general3A_20 {dimension_numbers = #tpu.dot_dimension_numbers<[1], [0], [0], [1], [0, 0, 1, 1], [], []>, transpose_lhs_hint = false} : vector<1000x128xf32>, vector<128x128xf32>, vector<1000x128xf32> -> vector<1000x128xf32>
    %add3A_22 = arith.addf %dot_general3A_16, %dot_general3A_21 : vector<1000x128xf32>
    %get3A_23 = arith.constant 0 : index
    %get3A_24 = arith.constant 0 : index
    %get3A_25 = vector.load %arg7[%get3A_23, %get3A_24] : memref<1x128xf32, #tpu.memory_space<vmem>>, vector<1x128xf32>
    %add3A_26 = vector.broadcast %get3A_25 : vector<1x128xf32> to vector<1000x128xf32>
    %add3A_27 = arith.addf %add3A_22, %add3A_26 : vector<1000x128xf32>
    %swap3A = arith.constant 0 : index
    %swap3A_28 = arith.constant 0 : index
    %swap3A_29 = vector.load %arg8[%swap3A, %swap3A_28] : memref<1000x128xf32, #tpu.memory_space<vmem>>, vector<1000x128xf32>
    tpu.vector_store %arg8[%swap3A, %swap3A_28], %add3A_27 {strides = array<i32>} : memref<1000x128xf32, #tpu.memory_space<vmem>>, vector<1000x128xf32>,
    return
  }
  func.func @transform_0(%arg0: i32) -> (i32, i32) {
    %c0_i32 = arith.constant 0 : i32
    %c0_i32_0 = arith.constant 0 : i32
    return %arg0, %c0_i32 : i32, i32
  }
  func.func @transform_1(%arg0: i32) -> (i32, i32) {
    %c0_i32 = arith.constant 0 : i32
    %c0_i32_0 = arith.constant 0 : i32
    return %arg0, %c0_i32 : i32, i32
  }
  func.func @transform_2(%arg0: i32) -> (i32, i32) {
    %c0_i32 = arith.constant 0 : i32
    %c0_i32_0 = arith.constant 0 : i32
    return %arg0, %c0_i32 : i32, i32
  }
  func.func @transform_3(%arg0: i32) -> (i32, i32) {
    %c0_i32 = arith.constant 0 : i32
    %c0_i32_0 = arith.constant 0 : i32
    return %arg0, %c0_i32 : i32, i32
  }
  func.func @transform_4(%arg0: i32) -> (i32, i32) {
    %c0_i32 = arith.constant 0 : i32
    %c0_i32_0 = arith.constant 0 : i32
    %c0_i32_1 = arith.constant 0 : i32
    return %c0_i32, %c0_i32_0 : i32, i32
  }
  func.func @transform_5(%arg0: i32) -> (i32, i32) {
    %c0_i32 = arith.constant 0 : i32
    %c0_i32_0 = arith.constant 0 : i32
    %c0_i32_1 = arith.constant 0 : i32
    return %c0_i32, %c0_i32_0 : i32, i32
  }
  func.func @transform_6(%arg0: i32) -> (i32, i32) {
    %c0_i32 = arith.constant 0 : i32
    %c0_i32_0 = arith.constant 0 : i32
    %c0_i32_1 = arith.constant 0 : i32
    return %c0_i32, %c0_i32_0 : i32, i32
  }
  func.func @transform_7(%arg0: i32) -> (i32, i32) {
    %c0_i32 = arith.constant 0 : i32
    %c0_i32_0 = arith.constant 0 : i32
    return %arg0, %c0_i32 : i32, i32
  }
}

</mosaic_0001>

<sc_bundles>
// kernel: kernel.11.cloned.1.call-start
scs
__scs_entry_jumppad:
0x0: {  	(pc) =	sbr.rel $0x88, $3  }
0x1: {  	(tag) =	ssettag $0x0;
	lr =	simm.s32 $0x1  }
0x2: {  	[smem:$0x3F97] =	sst lr;
	_ =	strace $0xD0000000  }
0x3: {  	_ = 	snop  }
0x4: {  	_ = 	snop  }
0x5: {  	_ = 	snop  }
0x6: {  	_ = 	snop  }
0x7: {  	_ = 	snop  }
__scs_overlays_trampoline_lowered:
0x8: {  	[smem:$0x3FA6] =	sst s0  }
0x9: {  	[smem:$0x3FA7] =	sst s1  }
0xa: {  	[smem:$0x3FA8] =	sst s2  }
0xb: {  	[smem:$0x3FA9] =	sst s3  }
0xc: {  	[smem:$0x3FAA] =	sst s4  }
0xd: {  	[smem:$0x3FAB] =	sst s5  }
0xe: {  	[smem:$0x3FAC] =	sst s6  }
0xf: {  	[smem:$0x3FAD] =	sst s7  }
0x10: {  	[smem:$0x3FAE] =	sst s8  }
0x11: {  	[smem:$0x3FAF] =	sst s9;
	s0 =	simm.s32 @!p0 $0x0  }
0x12: {  	s1 =	sld [smem:$0x3F95];
	s0 =	simm.s32 @p0 $0x1  }
0x13: {  	[smem:$0x3FB0] =	sst s0;
	s0 =	simm.s32 @!p1 $0x0  }
0x14: {  	s2 =	sld [smem:$0x3F94];
	s0 =	simm.s32 @p1 $0x1  }
0x15: {  	[smem:$0x3FB1] =	sst s0;
	s0 =	simm.s32 @!p2 $0x0  }
0x16: {  	s3 =	sld [smem:$0x3FDB];
	s0 =	simm.s32 @p2 $0x1  }
0x17: {  	s4 =	simm.s32 $0x1BF5;
	[smem:$0x3FB3] =	sst s0  }
0x18: {  	s0 =	sld [smem:$0x3F96];
	_ =	swait.ge [sflag:s4], $0x0  }
0x19: {  	s7 =	sld [smem:$0x3F97]  }
0x1a: {  	s8 =	sadd.s32 $0xFFFFE003, lr  }
0x1b: {  	s9 =	sadd.s32 $0xFFFFFEF7, lr;
	s5 =	simm.s32 $0xFFFFFFFF;
	p2 =	slt.u32 s8, $0xFFFFF086  }
0x1c: {  	p1 =	slt.u32 s9, $0xF7A;
	s5 =	simm.s32 @!p2 $0x0  }
0x1d: {  	s5 =	simm.s32 @p1 $0x1;
	p0 =	seq.s32 s7, s2  }
0x1e: {  	s7 =	smul.u32 @!p0 $0xF7A, s2;
	p2 =	seq.s32 @!p0 s5, $0x0  }
0x1f: {  	s9 =	smul.u32 $0xF7A, s1;
	s8 =	simm.s32 @!p0 $0x1BF5;
	p2 =	por !p2, p0  }
0x20: {  	[sflag:s8] =	ssyncset.s32 @!p0 $0xFFFFF086;
	s6 =	sadd.s32 @!p0 s3, s7;
	s7 =	simm.s32 @!p0 $0x108  }
0x21: {  	s3 =	sadd.s32 s3, s9;
	s6 =	sadd.s32 @!p0 $0x88, s6;
	s7 =	simm.s32 @p2 $0x1082  }
0x22: {  	[simem:s7], [sflag:s8] =	dma.local @!p0 [hbm:s6], $0xF7A  }
0x23: {  	s9 =	sor.u32 $0xD0000000, s2;
	s6 =	simm.s32 $0x108;
	_ =	swait.ge @!p0 [sflag:s8], $0x0  }
0x24: {  	s3 =	sadd.s32 $0x88, s3;
	s6 =	simm.s32 @!p1 $0x1082;
	[sflag:s4] =	ssyncset.s32 $0xFFFFF086  }
0x25: {  	[simem:s6], [sflag:s4] =	dma.local [hbm:s3], $0xF7A  }
0x26: {  	[smem:$0x3F97] =	sst s1;
	(tag) =	ssettag s2;
	_ =	strace s9  }
0x27: {  	s1 =	sld [smem:$0x3FA7]  }
0x28: {  	s2 =	sld [smem:$0x3FA8]  }
0x29: {  	s4 =	sld [smem:$0x3FAA]  }
0x2a: {  	p0 =	seq.s32 s5, $0x0;
	s5 =	sld [smem:$0x3FAB]  }
0x2b: {  	s6 =	sld [smem:$0x3FAC]  }
0x2c: {  	s7 =	sld [smem:$0x3FAD]  }
0x2d: {  	s3 =	simm.s32 $0x108;
	s8 =	sld [smem:$0x3FAE]  }
0x2e: {  	s3 =	simm.s32 @!p0 $0x1082;
	s9 =	sld [smem:$0x3FAF]  }
0x2f: {  	lr =	sadd.s32 s0, s3;
	s0 =	sld [smem:$0x3FA6]  }
0x30: {  	s3 =	sld [smem:$0x3FA9]  }
0x31: {  	[smem:$0x3FB2] =	sst s10  }
0x32: {  	s10 =	sld [smem:$0x3FB0];
	_ =	sdelay $0x3  }
0x33: {  	p0 =	seq.s32 s10, $0x1;
	s10 =	sld [smem:$0x3FB2];
	_ =	sdelay $0x3  }
0x34: {  	[smem:$0x3FB2] =	sst s10  }
0x35: {  	s10 =	sld [smem:$0x3FB1];
	_ =	sdelay $0x3  }
0x36: {  	p1 =	seq.s32 s10, $0x1;
	s10 =	sld [smem:$0x3FB2];
	_ =	sdelay $0x3  }
0x37: {  	[smem:$0x3FB2] =	sst s10  }
0x38: {  	s10 =	sld [smem:$0x3FB3]  }
0x39: {  	_ = 	snop;
	(pc) =	sbr.ind lr, $3  }
0x3a: {  	_ = 	snop  }
0x3b: {  	_ = 	snop  }
0x3c: {  	p2 =	seq.s32 s10, $0x1;
	s10 =	sld [smem:$0x3FB2]  }
0x3d: {  	_ =	shalt  }
0x3e: {  	_ =	shalt  }
0x3f: {  	_ =	shalt  }
0x40: {  	_ =	shalt  }
0x41: {  	_ =	shalt  }
0x42: {  	_ =	shalt  }
0x43: {  	_ =	shalt  }
0x44: {  	_ =	shalt  }
0x45: {  	_ =	shalt  }
0x46: {  	_ =	shalt  }
0x47: {  	_ =	shalt  }
0x48: {  	_ =	shalt  }
0x49: {  	_ =	shalt  }
0x4a: {  	_ =	shalt  }
0x4b: {  	_ =	shalt  }
0x4c: {  	_ =	shalt  }
0x4d: {  	_ =	shalt  }
0x4e: {  	_ =	shalt  }
0x4f: {  	_ =	shalt  }
0x50: {  	_ =	shalt  }
0x51: {  	_ =	shalt  }
0x52: {  	_ =	shalt  }
0x53: {  	_ =	shalt  }
0x54: {  	_ =	shalt  }
0x55: {  	_ =	shalt  }
0x56: {  	_ =	shalt  }
0x57: {  	_ =	shalt  }
0x58: {  	_ =	shalt  }
0x59: {  	_ =	shalt  }
0x5a: {  	_ =	shalt  }
0x5b: {  	_ =	shalt  }
0x5c: {  	_ =	shalt  }
0x5d: {  	_ =	shalt  }
0x5e: {  	_ =	shalt  }
0x5f: {  	_ =	shalt  }
0x60: {  	_ =	shalt  }
0x61: {  	_ =	shalt  }
0x62: {  	_ =	shalt  }
0x63: {  	_ =	shalt  }
0x64: {  	_ =	shalt  }
0x65: {  	_ =	shalt  }
0x66: {  	_ =	shalt  }
0x67: {  	_ =	shalt  }
0x68: {  	_ =	shalt  }
0x69: {  	_ =	shalt  }
0x6a: {  	_ =	shalt  }
0x6b: {  	_ =	shalt  }
0x6c: {  	_ =	shalt  }
0x6d: {  	_ =	shalt  }
0x6e: {  	_ =	shalt  }
0x6f: {  	_ =	shalt  }
0x70: {  	_ =	shalt  }
0x71: {  	_ =	shalt  }
0x72: {  	_ =	shalt  }
0x73: {  	_ =	shalt  }
0x74: {  	_ =	shalt  }
0x75: {  	_ =	shalt  }
0x76: {  	_ =	shalt  }
0x77: {  	_ =	shalt  }
0x78: {  	_ =	shalt  }
0x79: {  	_ =	shalt  }
0x7a: {  	_ =	shalt  }
0x7b: {  	_ =	shalt  }
0x7c: {  	_ =	shalt  }
0x7d: {  	_ =	shalt  }
0x7e: {  	_ =	shalt  }
0x7f: {  	_ =	shalt  }
0x80: {  	_ =	shalt  }
0x81: {  	_ =	shalt  }
0x82: {  	_ =	shalt  }
0x83: {  	_ =	shalt  }
0x84: {  	_ =	shalt  }
0x85: {  	_ =	shalt  }
0x86: {  	_ =	shalt  }
0x87: {  	_ =	shalt  }
.Lfunc_end0:
.L_simem_size_0:
called_computation.1_lowered:
.L_overlay_start_0:
0x88: {  	s2 =	sld [smem:$0x3FD9]  }
0x89: {  	s3 =	sld [smem:$0x3FFE];
	_ =	sdelay $0x1  }
0x8a: {  	s1 =	srdreg.scid  }
0x8b: {  	s0 =	sand.u32 $0x1, s1  }
0x8c: {  	s17 =	sshll.u32 s0, $0xA;
	s2 =	sadd.s32 s3, s2  }
0x8d: {  	s2 =	sadd.s32 s2, s17  }
0x8e: {  	[smem:$0x3FBE] =	sst s2  }
0x8f: {  	_ = 	snop  }
0x90: {  	s2 =	sld [smem:$0x3FD0];
	(tm) =	ssettm $0x1  }
0x91: {  	s18 =	sld [smem:$0x3FFB];
	_ =	sdelay $0x3  }
0x92: {  	_ =	strace s18  }
0x93: {  	s3 =	sld [smem:$0x3FFC];
	_ =	sdelay $0x3  }
0x94: {  	_ =	strace s3  }
0x95: {  	s3 =	sld [smem:$0x3FFD];
	_ =	sdelay $0x3  }
0x96: {  	_ =	strace s3  }
0x97: {  	_ =	strace $0x8FFFFFFF  }
0x98: {  	s19 =	sld [smem:$0x3FDB];
	_ =	sdelay $0x1  }
0x99: {  	s4 =	simm.s32 $_scs_section_size  }
0x9a: {  	s5 =	simm.s32 $_size__tile_overlayer_lowered;
	s6 =	simm.s32 $_tile_overlayer_lowered  }
0x9b: {  	s22 =	simm.s32 $0x1BFF;
	s21 =	sshll.u32 s6, $0x1;
	s3 =	sadd.s32 s4, s19  }
0x9c: {  	s7 =	simm.s32 $0x0;
	s20 =	sshll.u32 s5, $0x1;
	s5 =	sadd.s32 s21, s3  }
0x9d: {  	[timem:s7], [sflag:s22] =	dma.local [hbm:s5], s20  }
0x9e: {  	_ =	swait.ge [sflag:s22], s20  }
0x9f: {  	s4 =	ssub.s32 $0x0, s20;
	[sflag:s22] =	ssyncset.done $0x0  }
0xa0: {  	[sflag:s22] =	ssyncadd.s32 s4;
	_ =	sdelay $0x1  }
0xa1: {  	s23 =	simm.s32 $0x1B8B  }
0xa2: {  	_ =	swait.ge [sflag:s23], $0x1  }
0xa3: {  	[sflag:s23] =	ssyncset.done $0x0  }
0xa4: {  	s25 =	simm.s32 $0x1B8E;
	s24 =	sld [smem:$0x3FFE];
	[sflag:s23] =	ssyncadd.s32 $0xFFFFFFFF  }
0xa5: {  	s26 =	simm.s32 $execute0_lowered;
	[smem:$0x3FD2] =	sst s25  }
0xa6: {  	s5 =	sshll.u32 s26, $0x1;
	_ =	strace $0x80000049;
	[dreg:$0x1] =	wrdreg $0xFFFFFFFF  }
0xa7: {  	s28 =	simm.s32 $_size_execute0_lowered;
	s3 =	sadd.s32 s3, s5;
	[dreg:$0x0] =	wrdreg $0x0  }
0xa8: {  	s5 =	sshll.u32 s28, $0x1;
	[dreg:$0x2] =	wrdreg s3  }
0xa9: {  	[dreg:$0x3] =	wrdreg s5  }
0xaa: {  	[dreg:$0x4] =	wrdreg $0xC0  }
0xab: {  	_ =	task [dreg:s7], $0x5FFFF  }
0xac: {  	[dreg:$0x1] =	wrdreg $0xFFFFFFFF  }
0xad: {  	[dreg:$0x0] =	wrdreg $0x60  }
0xae: {  	[dreg:$0x2] =	wrdreg s2  }
0xaf: {  	[dreg:$0x3] =	wrdreg s24  }
0xb0: {  	[dreg:$0x4] =	wrdreg $0x80000  }
0xb1: {  	[dreg:$0x5] =	wrdreg $0x9  }
0xb2: {  	_ =	task.clear_ibuf [dreg:s7], $0x6FFFF;
	_ =	strace $0x90000049  }
0xb3: {  	s29 =	simm.s32 $0x9;
	_ =	strace $0x8000004B  }
0xb4: {  	_ =	swait.ge [sflag:s29], $0x1  }
0xb5: {  	[sflag:s29] =	ssyncadd.s32 $0xFFFFFFFF  }
0xb6: {  	_ =	strace $0x9000004B  }
0xb7: {  	_ =	sfence  }
0xb8: {  	s30 =	sld [smem:$0x0];
	_ =	sdelay $0x2  }
0xb9: {  	s31 =	sshll.u32 s1, $0xD;
	s1 =	sshrl.u32 s1, $0x2  }
0xba: {  	s3 =	sand.u32 $0x4000, s31;
	s1 =	sadd.s32 s1, s30  }
0xbb: {  	s0 =	sor.u32 s3, s0;
	s1 =	sshll.u32 s1, $0x11  }
0xbc: {  	s0 =	sor.u32 s1, s0  }
0xbd: {  	s0 =	sadd.s32 $0x8F2B, s0  }
0xbe: {  	[sflag:s0] =	ssyncadd.remote.s32 $0x1  }
0xbf: {  	_ =	sfence.sel $0xFFFF  }
0xc0: {  	[dreg:$0x0] =	wrdreg $0xFFFFFFFF;
	(pc) =	sbr.abs _section_cstart, $3  }
0xc1: {  	[dreg:$0x1] =	wrdreg $0xFFFFFFFF  }
0xc2: {  	_ =	task.clear_ibuf [dreg:s7], $0x2FFFF;
	_ =	strace $0x9FFFFFFF  }
0xc3: {  	(tm) =	ssettm $0x7FFFFFFF  }
tec
execute0_lowered:
.L_overlay_start_1:
0x0: {  	(tag) =	ssettag $0x1  }
0x1: {  	s1 =	rddreg [dreg:$0x0]  }
0x2: {  	s0 =	srdreg.scid;
	s2 =	rddreg [dreg:$0x1]  }
0x3: {  	s8 =	stileid.u32;
	s3 =	rddreg [dreg:$0x2]  }
0x4: {  	s9 =	simm.s32 $0x6;
	s26 =	simm.s32 $0x8E0;
	s28 =	simm.s32 $0xB80  }
0x5: {  	s29 =	simm.s32 $0x460;
	s30 =	simm.s32 $0xC60;
	s31 =	simm.s32 $0x540  }
0x6: {  	s0 =	sand.u32 $0x1, s0;
	s4 =	sshll.u32 s8, $0xB;
	s7 =	smul.u32 $0x13C00, s8  }
0x7: {  	s6 =	sshll.u32 s8, $0x7;
	s8 =	smul.u32 $0x4F000, s8;
	s5 =	sshll.u32 s0, $0x10  }
0x8: {  	s14 =	smul.u32 $0x13C000, s0;
	s16 =	ssub.s32 $0x2, s0;
	p0 =	seq.s32 s0, $0x0  }
0x9: {  	s0 =	simm.s32 $0x620;
	s4 =	ssub.s32 s4, s5;
	s17 =	sshrl.u32 s8, $0x2  }
0xa: {  	s18 =	sshrl.u32 s16, $0x1;
	s9 =	simm.s32 @!p0 $0x4;
	s8 =	simm.s32 $0xF00  }
0xb: {  	s5 =	sor.u32 s6, s4;
	s4 =	simm.s32 $0x0;
	s15 =	sadd.s32 s7, s14  }
0xc: {  	s6 =	ssub.s32 s16, s18;
	s16 =	simm.s32 $0x2;
	s18 =	simm.s32 $0x400  }
0xd: {  	s5 =	sand.u32 $0x34380, s5;
	[smem:$0x7FF] =	sst s4;
	s23 =	smax.u32 s6, $0x1  }
0xe: {  	s6 =	simm.s32 $0xE20;
	_ =	strace $0x8000004A;
	[dreg:$0xa] =	wrdreg s23  }
0xf: {  	s5 =	sshrl.u32 s5, $0x3;
	[dreg:$0x4] =	wrdreg s26;
	s23 =	simm.s32 $0x9C0  }
0x10: {  	s26 =	simm.s32 $0x380;
	s10 =	sadd.s32 s5, s2;
	s5 =	sshrl.u32 s15, $0x3  }
0x11: {  	s15 =	simm.s32 $0x1000;
	s2 =	sadd.s32 s5, s2;
	s24 =	sadd.s32 $0x17200, s10  }
0x12: {  	s5 =	sadd.s32 s17, s3;
	s25 =	sadd.s32 $0xD200, s10;
	[dreg:$0xb] =	wrdreg s24  }
0x13: {  	s17 =	simm.s32 $0x80;
	s7 =	sadd.s32 $0x4000, s5;
	[dreg:$0xc] =	wrdreg s25  }
0x14: {  	s10 =	simm.s32 $0x0;
	s19 =	sadd.s32 $0x8000, s5;
	[dreg:$0x5] =	wrdreg s7  }
0x15: {  	s20 =	sadd.s32 $0xC000, s5;
	s21 =	sadd.s32 $0x10000, s5;
	[dreg:$0x6] =	wrdreg s19  }
0x16: {  	s22 =	sadd.s32 $0x48400, s2;
	s24 =	simm.s32 $0x2A0;
	[dreg:$0x7] =	wrdreg s20  }
0x17: {  	s25 =	simm.s32 $0xAA0;
	s2 =	simm.s32 $0xD40;
	[dreg:$0x8] =	wrdreg s21  }
0x18: {  	[dreg:$0x9] =	wrdreg s22;
	s19 =	simm.s32 $0x800;
	s20 =	simm.s32 $0xE0  }
0x19: {  	v0 =	vimm.f32 $0.0e+00;
	s21 =	simm.s32 $0x1;
	s22 =	simm.s32 $0x1C0;
	s7 =	simm.s32 $0x700  }
.LBB2_1:
0x1a: {  	s11 =	simm.s32 $0x0;
	s13 =	simm.s32 $0x200  }
.LBB2_2:
0x1b: {  	p0 =	sne.s32 s13, $0x1BE00;
	[tilespmem:s11+$0x1070] =	vst v0  }
0x1c: {  	[tilespmem:s11+$0x1000] =	vst v0  }
0x1d: {  	[tilespmem:s11+$0x1010] =	vst v0  }
.Ltmp0:
0x1e: {  	[tilespmem:s11+$0x1020] =	vst v0;
	(pc) =	sbr.rel @p0 .LBB2_2-.Ltmp0, $4  }
0x1f: {  	[tilespmem:s11+$0x1030] =	vst v0  }
0x20: {  	[tilespmem:s11+$0x1040] =	vst v0  }
0x21: {  	[tilespmem:s11+$0x1050] =	vst v0  }
0x22: {  	[tilespmem:s11+$0x1060] =	vst v0;
	s11 =	sshra.s32 s13, $0x2;
	s13 =	sadd.s32 $0x200, s13  }
0x23: {  	[tilespmem:s11+$0x1070] =	vst v0  }
0x24: {  	[tilespmem:s11+$0x1000] =	vst v0  }
0x25: {  	[tilespmem:s11+$0x1010] =	vst v0  }
0x26: {  	[tilespmem:s11+$0x1020] =	vst v0  }
0x27: {  	[tilespmem:s11+$0x1030] =	vst v0  }
0x28: {  	[tilespmem:s11+$0x1040] =	vst v0  }
0x29: {  	[tilespmem:s11+$0x1050] =	vst v0  }
0x2a: {  	[tilespmem:s11+$0x1060] =	vst v0  }
0x2b: {  	[spmem:s5] =	stream.linear.scatter [tilespmem:s15], [sflag:$0x2], $0x4000, $0x38;
	[tilespmem:$0x1BC00] =	vst v63  }
0x2c: {  	_ =	swait.ge [sflag:s16], $0x4000  }
0x2d: {  	[sflag:s16] =	ssyncset.done $0x0  }
0x2e: {  	s14 =	rddreg [dreg:$0x5];
	[sflag:s16] =	ssyncadd.s32 $0xFFFFC000  }
0x2f: {  	[spmem:s14] =	stream.linear.scatter [tilespmem:s15], [sflag:$0x2], $0x4000, $0x38;
	[tilespmem:$0x1BC00] =	vst v63  }
0x30: {  	_ =	swait.ge [sflag:s16], $0x4000  }
0x31: {  	[sflag:s16] =	ssyncset.done $0x0  }
0x32: {  	s12 =	rddreg [dreg:$0x6];
	[sflag:s16] =	ssyncadd.s32 $0xFFFFC000  }
0x33: {  	[spmem:s12] =	stream.linear.scatter [tilespmem:s15], [sflag:$0x2], $0x4000, $0x38;
	[tilespmem:$0x1BC00] =	vst v63  }
0x34: {  	_ =	swait.ge [sflag:s16], $0x4000  }
0x35: {  	[sflag:s16] =	ssyncset.done $0x0  }
0x36: {  	s13 =	rddreg [dreg:$0x7];
	[sflag:s16] =	ssyncadd.s32 $0xFFFFC000  }
0x37: {  	[spmem:s13] =	stream.linear.scatter [tilespmem:s15], [sflag:$0x2], $0x4000, $0x38;
	[tilespmem:$0x1BC00] =	vst v63  }
0x38: {  	_ =	swait.ge [sflag:s16], $0x4000  }
0x39: {  	[sflag:s16] =	ssyncset.done $0x0  }
0x3a: {  	s14 =	rddreg [dreg:$0x8];
	[sflag:s16] =	ssyncadd.s32 $0xFFFFC000  }
0x3b: {  	[spmem:s14] =	stream.linear.scatter [tilespmem:s15], [sflag:$0x2], $0x3C00, $0x38;
	[tilespmem:$0x1BC00] =	vst v63  }
0x3c: {  	_ =	swait.ge [sflag:s16], $0x3C00  }
0x3d: {  	[sflag:s16] =	ssyncset.done $0x0  }
0x3e: {  	[sflag:s16] =	ssyncadd.s32 $0xFFFFC400  }
0x3f: {  	[bflag:$0x0] =	sbarrier.arrive $0xFFFF  }
0x40: {  	s14 =	rddreg [dreg:$0xc]  }
0x41: {  	[tilespmem:s4], [sflag:$0x2] =	stream.strided.gather [hbm4b:s14+s17], $0x800, s18, s17, $0x38;
	[tilespmem:$0x1BC00] =	vst v63  }
0x42: {  	_ =	swait.ge [sflag:s16], $0x800  }
0x43: {  	[sflag:s16] =	ssyncset.done $0x0  }
0x44: {  	s13 =	rddreg [dreg:$0xb];
	[sflag:s16] =	ssyncadd.s32 $0xFFFFF800  }
0x45: {  	[tilespmem:s19], [sflag:$0x2] =	stream.strided.gather [hbm4b:s13+s17], $0x800, s18, s17, $0x38;
	[tilespmem:$0x1BC00] =	vst v63  }
0x46: {  	_ =	swait.ge [sflag:s16], $0x800  }
0x47: {  	[sflag:s16] =	ssyncset.done $0x0  }
0x48: {  	[sflag:s16] =	ssyncadd.s32 $0xFFFFF800  }
0x49: {  	[tilespmem:s15], [sflag:$0x1] =	stream.indirect.gather [hbm4b:s1+s20], $0x80, s4, s20, $0xb8;
	[tilespmem:$0x1BC00] =	vst v63  }
0x4a: {  	_ =	swait.ge [sflag:s21], $0x7000  }
0x4b: {  	[sflag:s21] =	ssyncset.done $0x0  }
0x4c: {  	[sflag:s21] =	ssyncadd.s32 $0xFFFF9000  }
0x4d: {  	[spmem:s3] =	stream.indirect.scatter.add.f32 [tilespmem:s15], [sflag:$0x2], $0x80, s19, s20, $0xb8;
	[tilespmem:$0x1BC00] =	vst v63  }
0x4e: {  	_ =	swait.ge [sflag:s16], $0x7000  }
0x4f: {  	[sflag:s16] =	ssyncset.done $0x0  }
0x50: {  	[sflag:s16] =	ssyncadd.s32 $0xFFFF9000  }
0x51: {  	[tilespmem:s15], [sflag:$0x1] =	stream.indirect.gather [hbm4b:s1+s20], $0x80, s20, s20, $0xb8;
	[tilespmem:$0x1BC00] =	vst v63  }
0x52: {  	_ =	swait.ge [sflag:s21], $0x7000  }
0x53: {  	[sflag:s21] =	ssyncset.done $0x0  }
0x54: {  	s12 =	rddreg [dreg:$0x4];
	[sflag:s21] =	ssyncadd.s32 $0xFFFF9000  }
0x55: {  	[spmem:s3] =	stream.indirect.scatter.add.f32 [tilespmem:s15], [sflag:$0x2], $0x80, s12, s20, $0xb8;
	[tilespmem:$0x1BC00] =	vst v63  }
0x56: {  	_ =	swait.ge [sflag:s16], $0x7000  }
0x57: {  	[sflag:s16] =	ssyncset.done $0x0  }
0x58: {  	[sflag:s16] =	ssyncadd.s32 $0xFFFF9000  }
0x59: {  	[tilespmem:s15], [sflag:$0x1] =	stream.indirect.gather [hbm4b:s1+s20], $0x80, s22, s20, $0xb8;
	[tilespmem:$0x1BC00] =	vst v63  }
0x5a: {  	_ =	swait.ge [sflag:s21], $0x7000  }
0x5b: {  	[sflag:s21] =	ssyncset.done $0x0  }
0x5c: {  	[sflag:s21] =	ssyncadd.s32 $0xFFFF9000  }
0x5d: {  	[spmem:s3] =	stream.indirect.scatter.add.f32 [tilespmem:s15], [sflag:$0x2], $0x80, s23, s20, $0xb8;
	[tilespmem:$0x1BC00] =	vst v63  }
0x5e: {  	_ =	swait.ge [sflag:s16], $0x7000  }
0x5f: {  	[sflag:s16] =	ssyncset.done $0x0  }
0x60: {  	[sflag:s16] =	ssyncadd.s32 $0xFFFF9000  }
0x61: {  	[tilespmem:s15], [sflag:$0x1] =	stream.indirect.gather [hbm4b:s1+s20], $0x80, s24, s20, $0xb8;
	[tilespmem:$0x1BC00] =	vst v63  }
0x62: {  	_ =	swait.ge [sflag:s21], $0x7000  }
0x63: {  	[sflag:s21] =	ssyncset.done $0x0  }
0x64: {  	[sflag:s21] =	ssyncadd.s32 $0xFFFF9000  }
0x65: {  	[spmem:s3] =	stream.indirect.scatter.add.f32 [tilespmem:s15], [sflag:$0x2], $0x80, s25, s20, $0xb8;
	[tilespmem:$0x1BC00] =	vst v63  }
0x66: {  	_ =	swait.ge [sflag:s16], $0x7000  }
0x67: {  	[sflag:s16] =	ssyncset.done $0x0  }
0x68: {  	[sflag:s16] =	ssyncadd.s32 $0xFFFF9000  }
0x69: {  	[tilespmem:s15], [sflag:$0x1] =	stream.indirect.gather [hbm4b:s1+s20], $0x80, s26, s20, $0xb8;
	[tilespmem:$0x1BC00] =	vst v63  }
0x6a: {  	_ =	swait.ge [sflag:s21], $0x7000  }
0x6b: {  	[sflag:s21] =	ssyncset.done $0x0  }
0x6c: {  	[sflag:s21] =	ssyncadd.s32 $0xFFFF9000  }
0x6d: {  	[spmem:s3] =	stream.indirect.scatter.add.f32 [tilespmem:s15], [sflag:$0x2], $0x80, s28, s20, $0xb8;
	[tilespmem:$0x1BC00] =	vst v63  }
0x6e: {  	_ =	swait.ge [sflag:s16], $0x7000  }
0x6f: {  	[sflag:s16] =	ssyncset.done $0x0  }
0x70: {  	[sflag:s16] =	ssyncadd.s32 $0xFFFF9000  }
0x71: {  	[tilespmem:s15], [sflag:$0x1] =	stream.indirect.gather [hbm4b:s1+s20], $0x80, s29, s20, $0xb8;
	[tilespmem:$0x1BC00] =	vst v63  }
0x72: {  	_ =	swait.ge [sflag:s21], $0x7000  }
0x73: {  	[sflag:s21] =	ssyncset.done $0x0  }
0x74: {  	[sflag:s21] =	ssyncadd.s32 $0xFFFF9000  }
0x75: {  	[spmem:s3] =	stream.indirect.scatter.add.f32 [tilespmem:s15], [sflag:$0x2], $0x80, s30, s20, $0xb8;
	[tilespmem:$0x1BC00] =	vst v63  }
0x76: {  	_ =	swait.ge [sflag:s16], $0x7000  }
0x77: {  	[sflag:s16] =	ssyncset.done $0x0  }
0x78: {  	[sflag:s16] =	ssyncadd.s32 $0xFFFF9000  }
0x79: {  	[tilespmem:s15], [sflag:$0x1] =	stream.indirect.gather [hbm4b:s1+s20], $0x80, s31, s20, $0xb8;
	[tilespmem:$0x1BC00] =	vst v63  }
0x7a: {  	_ =	swait.ge [sflag:s21], $0x7000  }
0x7b: {  	[sflag:s21] =	ssyncset.done $0x0  }
0x7c: {  	[sflag:s21] =	ssyncadd.s32 $0xFFFF9000  }
0x7d: {  	[spmem:s3] =	stream.indirect.scatter.add.f32 [tilespmem:s15], [sflag:$0x2], $0x80, s2, s20, $0xb8;
	[tilespmem:$0x1BC00] =	vst v63  }
0x7e: {  	_ =	swait.ge [sflag:s16], $0x7000  }
0x7f: {  	[sflag:s16] =	ssyncset.done $0x0  }
0x80: {  	[sflag:s16] =	ssyncadd.s32 $0xFFFF9000  }
0x81: {  	[tilespmem:s15], [sflag:$0x1] =	stream.indirect.gather [hbm4b:s1+s20], $0x80, s0, s20, $0xb8;
	[tilespmem:$0x1BC00] =	vst v63  }
0x82: {  	_ =	swait.ge [sflag:s21], $0x7000  }
0x83: {  	[sflag:s21] =	ssyncset.done $0x0  }
0x84: {  	[sflag:s21] =	ssyncadd.s32 $0xFFFF9000  }
0x85: {  	[spmem:s3] =	stream.indirect.scatter.add.f32 [tilespmem:s15], [sflag:$0x2], $0x80, s6, s20, $0xb8;
	[tilespmem:$0x1BC00] =	vst v63  }
0x86: {  	_ =	swait.ge [sflag:s16], $0x7000  }
0x87: {  	[sflag:s16] =	ssyncset.done $0x0  }
0x88: {  	[sflag:s16] =	ssyncadd.s32 $0xFFFF9000  }
0x89: {  	[tilespmem:s15], [sflag:$0x1] =	stream.indirect.gather [hbm4b:s1+s20], $0x80, s7, s20, $0xb8;
	[tilespmem:$0x1BC00] =	vst v63  }
0x8a: {  	p0 =	sne.s32 s9, $0x1;
	_ =	swait.ge [sflag:s21], $0x7000  }
.Ltmp1:
0x8b: {  	[sflag:s21] =	ssyncset.done $0x0;
	(pc) =	sbr.rel @!p0 .LBB2_5-.Ltmp1, $4  }
0x8c: {  	[sflag:s21] =	ssyncadd.s32 $0xFFFF9000  }
0x8d: {  	[spmem:s3] =	stream.indirect.scatter.add.f32 [tilespmem:s15], [sflag:$0x2], $0x80, s8, s20, $0xb8;
	[tilespmem:$0x1BC00] =	vst v63  }
0x8e: {  	_ =	swait.ge [sflag:s16], $0x7000  }
0x8f: {  	s11 =	sadd.s32 $0xFFFFFFFF, s9;
	[sflag:s16] =	ssyncset.done $0x0  }
.LBB2_4:
0x90: {  	[sflag:s16] =	ssyncadd.s32 $0xFFFF9000;
	s14 =	sadd.s32 $0x1000, s14  }
0x91: {  	[tilespmem:s4], [sflag:$0x2] =	stream.strided.gather [hbm4b:s14+s17], $0x800, s18, s17, $0x38;
	[tilespmem:$0x1BC00] =	vst v63  }
0x92: {  	_ =	swait.ge [sflag:s16], $0x800  }
0x93: {  	[sflag:s16] =	ssyncset.done $0x0  }
0x94: {  	s13 =	sadd.s32 $0x1000, s13;
	[sflag:s16] =	ssyncadd.s32 $0xFFFFF800  }
0x95: {  	[tilespmem:s19], [sflag:$0x2] =	stream.strided.gather [hbm4b:s13+s17], $0x800, s18, s17, $0x38;
	[tilespmem:$0x1BC00] =	vst v63  }
0x96: {  	_ =	swait.ge [sflag:s16], $0x800  }
0x97: {  	[sflag:s16] =	ssyncset.done $0x0  }
0x98: {  	[sflag:s16] =	ssyncadd.s32 $0xFFFFF800  }
0x99: {  	[tilespmem:s15], [sflag:$0x1] =	stream.indirect.gather [hbm4b:s1+s20], $0x80, s4, s20, $0xb8;
	[tilespmem:$0x1BC00] =	vst v63  }
0x9a: {  	_ =	swait.ge [sflag:s21], $0x7000  }
0x9b: {  	[sflag:s21] =	ssyncset.done $0x0  }
0x9c: {  	[sflag:s21] =	ssyncadd.s32 $0xFFFF9000  }
0x9d: {  	[spmem:s3] =	stream.indirect.scatter.add.f32 [tilespmem:s15], [sflag:$0x2], $0x80, s19, s20, $0xb8;
	[tilespmem:$0x1BC00] =	vst v63  }
0x9e: {  	_ =	swait.ge [sflag:s16], $0x7000  }
0x9f: {  	[sflag:s16] =	ssyncset.done $0x0  }
0xa0: {  	[sflag:s16] =	ssyncadd.s32 $0xFFFF9000  }
0xa1: {  	[tilespmem:s15], [sflag:$0x1] =	stream.indirect.gather [hbm4b:s1+s20], $0x80, s20, s20, $0xb8;
	[tilespmem:$0x1BC00] =	vst v63  }
0xa2: {  	_ =	swait.ge [sflag:s21], $0x7000  }
0xa3: {  	[sflag:s21] =	ssyncset.done $0x0  }
0xa4: {  	s12 =	rddreg [dreg:$0x4];
	[sflag:s21] =	ssyncadd.s32 $0xFFFF9000  }
0xa5: {  	[spmem:s3] =	stream.indirect.scatter.add.f32 [tilespmem:s15], [sflag:$0x2], $0x80, s12, s20, $0xb8;
	[tilespmem:$0x1BC00] =	vst v63  }
0xa6: {  	_ =	swait.ge [sflag:s16], $0x7000  }
0xa7: {  	[sflag:s16] =	ssyncset.done $0x0  }
0xa8: {  	[sflag:s16] =	ssyncadd.s32 $0xFFFF9000  }
0xa9: {  	[tilespmem:s15], [sflag:$0x1] =	stream.indirect.gather [hbm4b:s1+s20], $0x80, s22, s20, $0xb8;
	[tilespmem:$0x1BC00] =	vst v63  }
0xaa: {  	_ =	swait.ge [sflag:s21], $0x7000  }
0xab: {  	[sflag:s21] =	ssyncset.done $0x0  }
0xac: {  	[sflag:s21] =	ssyncadd.s32 $0xFFFF9000  }
0xad: {  	[spmem:s3] =	stream.indirect.scatter.add.f32 [tilespmem:s15], [sflag:$0x2], $0x80, s23, s20, $0xb8;
	[tilespmem:$0x1BC00] =	vst v63  }
0xae: {  	_ =	swait.ge [sflag:s16], $0x7000  }
0xaf: {  	[sflag:s16] =	ssyncset.done $0x0  }
0xb0: {  	[sflag:s16] =	ssyncadd.s32 $0xFFFF9000  }
0xb1: {  	[tilespmem:s15], [sflag:$0x1] =	stream.indirect.gather [hbm4b:s1+s20], $0x80, s24, s20, $0xb8;
	[tilespmem:$0x1BC00] =	vst v63  }
0xb2: {  	_ =	swait.ge [sflag:s21], $0x7000  }
0xb3: {  	[sflag:s21] =	ssyncset.done $0x0  }
0xb4: {  	[sflag:s21] =	ssyncadd.s32 $0xFFFF9000  }
0xb5: {  	[spmem:s3] =	stream.indirect.scatter.add.f32 [tilespmem:s15], [sflag:$0x2], $0x80, s25, s20, $0xb8;
	[tilespmem:$0x1BC00] =	vst v63  }
0xb6: {  	_ =	swait.ge [sflag:s16], $0x7000  }
0xb7: {  	[sflag:s16] =	ssyncset.done $0x0  }
0xb8: {  	[sflag:s16] =	ssyncadd.s32 $0xFFFF9000  }
0xb9: {  	[tilespmem:s15], [sflag:$0x1] =	stream.indirect.gather [hbm4b:s1+s20], $0x80, s26, s20, $0xb8;
	[tilespmem:$0x1BC00] =	vst v63  }
0xba: {  	_ =	swait.ge [sflag:s21], $0x7000  }
0xbb: {  	[sflag:s21] =	ssyncset.done $0x0  }
0xbc: {  	[sflag:s21] =	ssyncadd.s32 $0xFFFF9000  }
0xbd: {  	[spmem:s3] =	stream.indirect.scatter.add.f32 [tilespmem:s15], [sflag:$0x2], $0x80, s28, s20, $0xb8;
	[tilespmem:$0x1BC00] =	vst v63  }
0xbe: {  	_ =	swait.ge [sflag:s16], $0x7000  }
0xbf: {  	[sflag:s16] =	ssyncset.done $0x0  }
0xc0: {  	[sflag:s16] =	ssyncadd.s32 $0xFFFF9000  }
0xc1: {  	[tilespmem:s15], [sflag:$0x1] =	stream.indirect.gather [hbm4b:s1+s20], $0x80, s29, s20, $0xb8;
	[tilespmem:$0x1BC00] =	vst v63  }
0xc2: {  	_ =	swait.ge [sflag:s21], $0x7000  }
0xc3: {  	[sflag:s21] =	ssyncset.done $0x0  }
0xc4: {  	[sflag:s21] =	ssyncadd.s32 $0xFFFF9000  }
0xc5: {  	[spmem:s3] =	stream.indirect.scatter.add.f32 [tilespmem:s15], [sflag:$0x2], $0x80, s30, s20, $0xb8;
	[tilespmem:$0x1BC00] =	vst v63  }
0xc6: {  	_ =	swait.ge [sflag:s16], $0x7000  }
0xc7: {  	[sflag:s16] =	ssyncset.done $0x0  }
0xc8: {  	[sflag:s16] =	ssyncadd.s32 $0xFFFF9000  }
0xc9: {  	[tilespmem:s15], [sflag:$0x1] =	stream.indirect.gather [hbm4b:s1+s20], $0x80, s31, s20, $0xb8;
	[tilespmem:$0x1BC00] =	vst v63  }
0xca: {  	_ =	swait.ge [sflag:s21], $0x7000  }
0xcb: {  	[sflag:s21] =	ssyncset.done $0x0  }
0xcc: {  	[sflag:s21] =	ssyncadd.s32 $0xFFFF9000  }
0xcd: {  	[spmem:s3] =	stream.indirect.scatter.add.f32 [tilespmem:s15], [sflag:$0x2], $0x80, s2, s20, $0xb8;
	[tilespmem:$0x1BC00] =	vst v63  }
0xce: {  	_ =	swait.ge [sflag:s16], $0x7000  }
0xcf: {  	[sflag:s16] =	ssyncset.done $0x0  }
0xd0: {  	[sflag:s16] =	ssyncadd.s32 $0xFFFF9000  }
0xd1: {  	[tilespmem:s15], [sflag:$0x1] =	stream.indirect.gather [hbm4b:s1+s20], $0x80, s0, s20, $0xb8;
	[tilespmem:$0x1BC00] =	vst v63  }
0xd2: {  	_ =	swait.ge [sflag:s21], $0x7000  }
0xd3: {  	[sflag:s21] =	ssyncset.done $0x0  }
0xd4: {  	[sflag:s21] =	ssyncadd.s32 $0xFFFF9000  }
0xd5: {  	[spmem:s3] =	stream.indirect.scatter.add.f32 [tilespmem:s15], [sflag:$0x2], $0x80, s6, s20, $0xb8;
	[tilespmem:$0x1BC00] =	vst v63  }
0xd6: {  	_ =	swait.ge [sflag:s16], $0x7000  }
0xd7: {  	[sflag:s16] =	ssyncset.done $0x0  }
0xd8: {  	[sflag:s16] =	ssyncadd.s32 $0xFFFF9000  }
0xd9: {  	[tilespmem:s15], [sflag:$0x1] =	stream.indirect.gather [hbm4b:s1+s20], $0x80, s7, s20, $0xb8;
	[tilespmem:$0x1BC00] =	vst v63  }
0xda: {  	p0 =	sne.s32 s11, $0x1;
	_ =	swait.ge [sflag:s21], $0x7000  }
.Ltmp2:
0xdb: {  	[sflag:s21] =	ssyncset.done $0x0;
	(pc) =	sbr.rel @p0 .LBB2_4-.Ltmp2, $4  }
0xdc: {  	[sflag:s21] =	ssyncadd.s32 $0xFFFF9000  }
0xdd: {  	[spmem:s3] =	stream.indirect.scatter.add.f32 [tilespmem:s15], [sflag:$0x2], $0x80, s8, s20, $0xb8;
	[tilespmem:$0x1BC00] =	vst v63  }
0xde: {  	_ =	swait.ge [sflag:s16], $0x7000  }
0xdf: {  	s11 =	sadd.s32 $0xFFFFFFFF, s11;
	[sflag:s16] =	ssyncset.done $0x0  }
.LBB2_5:
0xe0: {  	[sflag:s16] =	ssyncadd.s32 $0xFFFF9000;
	s11 =	stileid.u32  }
0xe1: {  	s11 =	sshll.u32 s11, $0x6;
	[bflag:$0x0] =	sbarrier.arrive $0xFFFF  }
0xe2: {  	s12 =	sshrl.u32 s5, $0x3;
	s11 =	sor.u32 $0x1C02, s11;
	s13 =	rddreg [dreg:$0x9]  }
0xe3: {  	[hbm:s13], [sflag:s11] =	dma.local [spmem:s12], $0x2780  }
0xe4: {  	_ =	swait.ge [sflag:s16], $0x2780  }
0xe5: {  	s10 =	sadd.s32 $0x1, s10;
	s14 =	rddreg [dreg:$0xa]  }
0xe6: {  	p0 =	sne.s32 s10, s14  }
.Ltmp3:
0xe7: {  	_ = 	snop;
	(pc) =	sbr.rel @p0 .LBB2_1-.Ltmp3, $3  }
0xe8: {  	_ =	sdelay $0x1  }
0xe9: {  	[sflag:s16] =	ssyncset.done $0x0  }
0xea: {  	[sflag:s16] =	ssyncadd.s32 $0xFFFFD880  }
0xeb: {  	_ =	sfence.sel $0x180000  }
0xec: {  	[bflag:$0x0] =	sbarrier.arrive $0xFFFF  }
0xed: {  	_ =	strace $0x9000004A  }
0xee: {  	s0 =	stileid.u32;
	[bflag:$0x2] =	sbarrier.arrive $0xFFFF  }
0xef: {  	p0 =	sne.s32 s0, $0x0;
	s0 =	rddreg [dreg:$0x3]  }
0xf0: {  	s0 =	sadd.s32 @!p0 $0x100000, s0  }
0xf1: {  	[sflag:s0] =	ssyncadd.tile.s32 @!p0 $0x1;
	_ =	shalt  }
.Lfunc_end2:
_tile_overlayer_lowered:
.L_overlay_start_2:
0xf2: {  	(tag) =	ssettag $0x2  }
0xf3: {  	s0 =	rddreg [dreg:$0x0];
	s2 =	stileid.u32  }
0xf4: {  	s1 =	rddreg [dreg:$0x1];
	p0 =	sne.s32 s2, $0x0  }
0xf5: {  	s3 =	rddreg [dreg:$0x2];
	[bflag:$0x3] =	sbarrier.arrive $0xFFFF;
	s2 =	simm.s32 @!p0 $0x1C02  }
0xf6: {  	[timem:s3], [sflag:s2] =	dma.local @!p0 [hbm:s0], s1  }
0xf7: {  	s0 =	simm.s32 @!p0 $0x2  }
0xf8: {  	_ =	swait.ge @!p0 [sflag:s0], s1  }
0xf9: {  	s1 =	ssub.s32 @!p0 $0x0, s1;
	[sflag:s0] =	ssyncset.done @!p0 $0x0  }
0xfa: {  	[sflag:s0] =	ssyncadd.s32 @!p0 s1  }
0xfb: {  	[bflag:$0x3] =	sbarrier.arrive $0xFFFF  }
0xfc: {  	_ =	shalt  }

// kernel: kernel.14.cloned.1.call-start
scs
__scs_entry_jumppad:
0x0: {  	(pc) =	sbr.rel $0x88, $3  }
0x1: {  	(tag) =	ssettag $0x0;
	lr =	simm.s32 $0x1  }
0x2: {  	[smem:$0x3F97] =	sst lr;
	_ =	strace $0xD0000000  }
0x3: {  	_ = 	snop  }
0x4: {  	_ = 	snop  }
0x5: {  	_ = 	snop  }
0x6: {  	_ = 	snop  }
0x7: {  	_ = 	snop  }
__scs_overlays_trampoline_lowered:
0x8: {  	[smem:$0x3FA6] =	sst s0  }
0x9: {  	[smem:$0x3FA7] =	sst s1  }
0xa: {  	[smem:$0x3FA8] =	sst s2  }
0xb: {  	[smem:$0x3FA9] =	sst s3  }
0xc: {  	[smem:$0x3FAA] =	sst s4  }
0xd: {  	[smem:$0x3FAB] =	sst s5  }
0xe: {  	[smem:$0x3FAC] =	sst s6  }
0xf: {  	[smem:$0x3FAD] =	sst s7  }
0x10: {  	[smem:$0x3FAE] =	sst s8  }
0x11: {  	[smem:$0x3FAF] =	sst s9;
	s0 =	simm.s32 @!p0 $0x0  }
0x12: {  	s1 =	sld [smem:$0x3F95];
	s0 =	simm.s32 @p0 $0x1  }
0x13: {  	[smem:$0x3FB0] =	sst s0;
	s0 =	simm.s32 @!p1 $0x0  }
0x14: {  	s2 =	sld [smem:$0x3F94];
	s0 =	simm.s32 @p1 $0x1  }
0x15: {  	[smem:$0x3FB1] =	sst s0;
	s0 =	simm.s32 @!p2 $0x0  }
0x16: {  	s3 =	sld [smem:$0x3FDB];
	s0 =	simm.s32 @p2 $0x1  }
0x17: {  	s4 =	simm.s32 $0x1BF5;
	[smem:$0x3FB3] =	sst s0  }
0x18: {  	s0 =	sld [smem:$0x3F96];
	_ =	swait.ge [sflag:s4], $0x0  }
0x19: {  	s7 =	sld [smem:$0x3F97]  }
0x1a: {  	s8 =	sadd.s32 $0xFFFFE003, lr  }
0x1b: {  	s9 =	sadd.s32 $0xFFFFFEF7, lr;
	s5 =	simm.s32 $0xFFFFFFFF;
	p2 =	slt.u32 s8, $0xFFFFF086  }
0x1c: {  	p1 =	slt.u32 s9, $0xF7A;
	s5 =	simm.s32 @!p2 $0x0  }
0x1d: {  	s5 =	simm.s32 @p1 $0x1;
	p0 =	seq.s32 s7, s2  }
0x1e: {  	s7 =	smul.u32 @!p0 $0xF7A, s2;
	p2 =	seq.s32 @!p0 s5, $0x0  }
0x1f: {  	s9 =	smul.u32 $0xF7A, s1;
	s8 =	simm.s32 @!p0 $0x1BF5;
	p2 =	por !p2, p0  }
0x20: {  	[sflag:s8] =	ssyncset.s32 @!p0 $0xFFFFF086;
	s6 =	sadd.s32 @!p0 s3, s7;
	s7 =	simm.s32 @!p0 $0x108  }
0x21: {  	s3 =	sadd.s32 s3, s9;
	s6 =	sadd.s32 @!p0 $0x88, s6;
	s7 =	simm.s32 @p2 $0x1082  }
0x22: {  	[simem:s7], [sflag:s8] =	dma.local @!p0 [hbm:s6], $0xF7A  }
0x23: {  	s9 =	sor.u32 $0xD0000000, s2;
	s6 =	simm.s32 $0x108;
	_ =	swait.ge @!p0 [sflag:s8], $0x0  }
0x24: {  	s3 =	sadd.s32 $0x88, s3;
	s6 =	simm.s32 @!p1 $0x1082;
	[sflag:s4] =	ssyncset.s32 $0xFFFFF086  }
0x25: {  	[simem:s6], [sflag:s4] =	dma.local [hbm:s3], $0xF7A  }
0x26: {  	[smem:$0x3F97] =	sst s1;
	(tag) =	ssettag s2;
	_ =	strace s9  }
0x27: {  	s1 =	sld [smem:$0x3FA7]  }
0x28: {  	s2 =	sld [smem:$0x3FA8]  }
0x29: {  	s4 =	sld [smem:$0x3FAA]  }
0x2a: {  	p0 =	seq.s32 s5, $0x0;
	s5 =	sld [smem:$0x3FAB]  }
0x2b: {  	s6 =	sld [smem:$0x3FAC]  }
0x2c: {  	s7 =	sld [smem:$0x3FAD]  }
0x2d: {  	s3 =	simm.s32 $0x108;
	s8 =	sld [smem:$0x3FAE]  }
0x2e: {  	s3 =	simm.s32 @!p0 $0x1082;
	s9 =	sld [smem:$0x3FAF]  }
0x2f: {  	lr =	sadd.s32 s0, s3;
	s0 =	sld [smem:$0x3FA6]  }
0x30: {  	s3 =	sld [smem:$0x3FA9]  }
0x31: {  	[smem:$0x3FB2] =	sst s10  }
0x32: {  	s10 =	sld [smem:$0x3FB0];
	_ =	sdelay $0x3  }
0x33: {  	p0 =	seq.s32 s10, $0x1;
	s10 =	sld [smem:$0x3FB2];
	_ =	sdelay $0x3  }
0x34: {  	[smem:$0x3FB2] =	sst s10  }
0x35: {  	s10 =	sld [smem:$0x3FB1];
	_ =	sdelay $0x3  }
0x36: {  	p1 =	seq.s32 s10, $0x1;
	s10 =	sld [smem:$0x3FB2];
	_ =	sdelay $0x3  }
0x37: {  	[smem:$0x3FB2] =	sst s10  }
0x38: {  	s10 =	sld [smem:$0x3FB3]  }
0x39: {  	_ = 	snop;
	(pc) =	sbr.ind lr, $3  }
0x3a: {  	_ = 	snop  }
0x3b: {  	_ = 	snop  }
0x3c: {  	p2 =	seq.s32 s10, $0x1;
	s10 =	sld [smem:$0x3FB2]  }
0x3d: {  	_ =	shalt  }
0x3e: {  	_ =	shalt  }
0x3f: {  	_ =	shalt  }
0x40: {  	_ =	shalt  }
0x41: {  	_ =	shalt  }
0x42: {  	_ =	shalt  }
0x43: {  	_ =	shalt  }
0x44: {  	_ =	shalt  }
0x45: {  	_ =	shalt  }
0x46: {  	_ =	shalt  }
0x47: {  	_ =	shalt  }
0x48: {  	_ =	shalt  }
0x49: {  	_ =	shalt  }
0x4a: {  	_ =	shalt  }
0x4b: {  	_ =	shalt  }
0x4c: {  	_ =	shalt  }
0x4d: {  	_ =	shalt  }
0x4e: {  	_ =	shalt  }
0x4f: {  	_ =	shalt  }
0x50: {  	_ =	shalt  }
0x51: {  	_ =	shalt  }
0x52: {  	_ =	shalt  }
0x53: {  	_ =	shalt  }
0x54: {  	_ =	shalt  }
0x55: {  	_ =	shalt  }
0x56: {  	_ =	shalt  }
0x57: {  	_ =	shalt  }
0x58: {  	_ =	shalt  }
0x59: {  	_ =	shalt  }
0x5a: {  	_ =	shalt  }
0x5b: {  	_ =	shalt  }
0x5c: {  	_ =	shalt  }
0x5d: {  	_ =	shalt  }
0x5e: {  	_ =	shalt  }
0x5f: {  	_ =	shalt  }
0x60: {  	_ =	shalt  }
0x61: {  	_ =	shalt  }
0x62: {  	_ =	shalt  }
0x63: {  	_ =	shalt  }
0x64: {  	_ =	shalt  }
0x65: {  	_ =	shalt  }
0x66: {  	_ =	shalt  }
0x67: {  	_ =	shalt  }
0x68: {  	_ =	shalt  }
0x69: {  	_ =	shalt  }
0x6a: {  	_ =	shalt  }
0x6b: {  	_ =	shalt  }
0x6c: {  	_ =	shalt  }
0x6d: {  	_ =	shalt  }
0x6e: {  	_ =	shalt  }
0x6f: {  	_ =	shalt  }
0x70: {  	_ =	shalt  }
0x71: {  	_ =	shalt  }
0x72: {  	_ =	shalt  }
0x73: {  	_ =	shalt  }
0x74: {  	_ =	shalt  }
0x75: {  	_ =	shalt  }
0x76: {  	_ =	shalt  }
0x77: {  	_ =	shalt  }
0x78: {  	_ =	shalt  }
0x79: {  	_ =	shalt  }
0x7a: {  	_ =	shalt  }
0x7b: {  	_ =	shalt  }
0x7c: {  	_ =	shalt  }
0x7d: {  	_ =	shalt  }
0x7e: {  	_ =	shalt  }
0x7f: {  	_ =	shalt  }
0x80: {  	_ =	shalt  }
0x81: {  	_ =	shalt  }
0x82: {  	_ =	shalt  }
0x83: {  	_ =	shalt  }
0x84: {  	_ =	shalt  }
0x85: {  	_ =	shalt  }
0x86: {  	_ =	shalt  }
0x87: {  	_ =	shalt  }
.Lfunc_end0:
.L_simem_size_0:
called_computation.2_lowered:
.L_overlay_start_0:
0x88: {  	s2 =	sld [smem:$0x3FD9]  }
0x89: {  	s3 =	sld [smem:$0x3FFE];
	_ =	sdelay $0x1  }
0x8a: {  	s1 =	srdreg.scid  }
0x8b: {  	s0 =	sand.u32 $0x1, s1  }
0x8c: {  	s17 =	sshll.u32 s0, $0xA;
	s2 =	sadd.s32 s3, s2  }
0x8d: {  	s2 =	sadd.s32 s2, s17  }
0x8e: {  	[smem:$0x3FBE] =	sst s2  }
0x8f: {  	_ = 	snop  }
0x90: {  	s2 =	sld [smem:$0x3FD0];
	(tm) =	ssettm $0x1  }
0x91: {  	s18 =	sld [smem:$0x3FFB];
	_ =	sdelay $0x3  }
0x92: {  	_ =	strace s18  }
0x93: {  	s3 =	sld [smem:$0x3FFC];
	_ =	sdelay $0x3  }
0x94: {  	_ =	strace s3  }
0x95: {  	s3 =	sld [smem:$0x3FFD];
	_ =	sdelay $0x3  }
0x96: {  	_ =	strace s3  }
0x97: {  	_ =	strace $0x8FFFFFFF  }
0x98: {  	s19 =	sld [smem:$0x3FDB];
	_ =	sdelay $0x1  }
0x99: {  	s4 =	simm.s32 $_scs_section_size  }
0x9a: {  	s5 =	simm.s32 $_size__tile_overlayer_lowered;
	s6 =	simm.s32 $_tile_overlayer_lowered  }
0x9b: {  	s22 =	simm.s32 $0x1BFF;
	s21 =	sshll.u32 s6, $0x1;
	s3 =	sadd.s32 s4, s19  }
0x9c: {  	s7 =	simm.s32 $0x0;
	s20 =	sshll.u32 s5, $0x1;
	s5 =	sadd.s32 s21, s3  }
0x9d: {  	[timem:s7], [sflag:s22] =	dma.local [hbm:s5], s20  }
0x9e: {  	_ =	swait.ge [sflag:s22], s20  }
0x9f: {  	s4 =	ssub.s32 $0x0, s20;
	[sflag:s22] =	ssyncset.done $0x0  }
0xa0: {  	[sflag:s22] =	ssyncadd.s32 s4;
	_ =	sdelay $0x1  }
0xa1: {  	s23 =	simm.s32 $0x1B8B  }
0xa2: {  	_ =	swait.ge [sflag:s23], $0x1  }
0xa3: {  	[sflag:s23] =	ssyncset.done $0x0  }
0xa4: {  	s25 =	simm.s32 $0x1B8E;
	s24 =	sld [smem:$0x3FFE];
	[sflag:s23] =	ssyncadd.s32 $0xFFFFFFFF  }
0xa5: {  	s26 =	simm.s32 $execute0_lowered;
	[smem:$0x3FD2] =	sst s25  }
0xa6: {  	s5 =	sshll.u32 s26, $0x1;
	_ =	strace $0x8000004C;
	[dreg:$0x1] =	wrdreg $0xFFFFFFFF  }
0xa7: {  	s28 =	simm.s32 $_size_execute0_lowered;
	s3 =	sadd.s32 s3, s5;
	[dreg:$0x0] =	wrdreg $0x0  }
0xa8: {  	s5 =	sshll.u32 s28, $0x1;
	[dreg:$0x2] =	wrdreg s3  }
0xa9: {  	[dreg:$0x3] =	wrdreg s5  }
0xaa: {  	[dreg:$0x4] =	wrdreg $0xC0  }
0xab: {  	_ =	task [dreg:s7], $0x5FFFF  }
0xac: {  	[dreg:$0x1] =	wrdreg $0xFFFFFFFF  }
0xad: {  	[dreg:$0x0] =	wrdreg $0x60  }
0xae: {  	[dreg:$0x2] =	wrdreg s2  }
0xaf: {  	[dreg:$0x3] =	wrdreg s24  }
0xb0: {  	[dreg:$0x4] =	wrdreg $0x80000  }
0xb1: {  	[dreg:$0x5] =	wrdreg $0x9  }
0xb2: {  	_ =	task.clear_ibuf [dreg:s7], $0x6FFFF;
	_ =	strace $0x9000004C  }
0xb3: {  	s29 =	simm.s32 $0x9;
	_ =	strace $0x8000004E  }
0xb4: {  	_ =	swait.ge [sflag:s29], $0x1  }
0xb5: {  	[sflag:s29] =	ssyncadd.s32 $0xFFFFFFFF  }
0xb6: {  	_ =	strace $0x9000004E  }
0xb7: {  	_ =	sfence  }
0xb8: {  	s30 =	sld [smem:$0x0];
	_ =	sdelay $0x2  }
0xb9: {  	s31 =	sshll.u32 s1, $0xD;
	s1 =	sshrl.u32 s1, $0x2  }
0xba: {  	s3 =	sand.u32 $0x4000, s31;
	s1 =	sadd.s32 s1, s30  }
0xbb: {  	s0 =	sor.u32 s3, s0;
	s1 =	sshll.u32 s1, $0x11  }
0xbc: {  	s0 =	sor.u32 s1, s0  }
0xbd: {  	s0 =	sadd.s32 $0x8F2B, s0  }
0xbe: {  	[sflag:s0] =	ssyncadd.remote.s32 $0x1  }
0xbf: {  	_ =	sfence.sel $0xFFFF  }
0xc0: {  	[dreg:$0x0] =	wrdreg $0xFFFFFFFF;
	(pc) =	sbr.abs _section_cstart, $3  }
0xc1: {  	[dreg:$0x1] =	wrdreg $0xFFFFFFFF  }
0xc2: {  	_ =	task.clear_ibuf [dreg:s7], $0x2FFFF;
	_ =	strace $0x9FFFFFFF  }
0xc3: {  	(tm) =	ssettm $0x7FFFFFFF  }
tec
execute0_lowered:
.L_overlay_start_1:
0x0: {  	(tag) =	ssettag $0x1  }
0x1: {  	s1 =	rddreg [dreg:$0x0]  }
0x2: {  	s0 =	srdreg.scid;
	s2 =	rddreg [dreg:$0x1]  }
0x3: {  	s8 =	stileid.u32;
	s3 =	rddreg [dreg:$0x2]  }
0x4: {  	s9 =	simm.s32 $0x6;
	s26 =	simm.s32 $0x8E0;
	s28 =	simm.s32 $0xB80  }
0x5: {  	s29 =	simm.s32 $0x460;
	s30 =	simm.s32 $0xC60;
	s31 =	simm.s32 $0x540  }
0x6: {  	s0 =	sand.u32 $0x1, s0;
	s4 =	sshll.u32 s8, $0xB;
	s7 =	smul.u32 $0x13C00, s8  }
0x7: {  	s6 =	sshll.u32 s8, $0x7;
	s8 =	smul.u32 $0x4F000, s8;
	s5 =	sshll.u32 s0, $0x10  }
0x8: {  	s14 =	smul.u32 $0x13C000, s0;
	s16 =	ssub.s32 $0x2, s0;
	p0 =	seq.s32 s0, $0x0  }
0x9: {  	s0 =	simm.s32 $0x620;
	s4 =	ssub.s32 s4, s5;
	s17 =	sshrl.u32 s8, $0x2  }
0xa: {  	s18 =	sshrl.u32 s16, $0x1;
	s9 =	simm.s32 @!p0 $0x4;
	s8 =	simm.s32 $0xF00  }
0xb: {  	s5 =	sor.u32 s6, s4;
	s4 =	simm.s32 $0x0;
	s15 =	sadd.s32 s7, s14  }
0xc: {  	s6 =	ssub.s32 s16, s18;
	s16 =	simm.s32 $0x2;
	s18 =	simm.s32 $0x400  }
0xd: {  	s5 =	sand.u32 $0x34380, s5;
	[smem:$0x7FF] =	sst s4;
	s23 =	smax.u32 s6, $0x1  }
0xe: {  	s6 =	simm.s32 $0xE20;
	_ =	strace $0x8000004D;
	[dreg:$0xa] =	wrdreg s23  }
0xf: {  	s5 =	sshrl.u32 s5, $0x3;
	[dreg:$0x4] =	wrdreg s26;
	s23 =	simm.s32 $0x9C0  }
0x10: {  	s26 =	simm.s32 $0x380;
	s10 =	sadd.s32 s5, s2;
	s5 =	sshrl.u32 s15, $0x3  }
0x11: {  	s15 =	simm.s32 $0x1000;
	s2 =	sadd.s32 s5, s2;
	s24 =	sadd.s32 $0x17200, s10  }
0x12: {  	s5 =	sadd.s32 s17, s3;
	s25 =	sadd.s32 $0xD200, s10;
	[dreg:$0xb] =	wrdreg s24  }
0x13: {  	s17 =	simm.s32 $0x80;
	s7 =	sadd.s32 $0x4000, s5;
	[dreg:$0xc] =	wrdreg s25  }
0x14: {  	s10 =	simm.s32 $0x0;
	s19 =	sadd.s32 $0x8000, s5;
	[dreg:$0x5] =	wrdreg s7  }
0x15: {  	s20 =	sadd.s32 $0xC000, s5;
	s21 =	sadd.s32 $0x10000, s5;
	[dreg:$0x6] =	wrdreg s19  }
0x16: {  	s22 =	sadd.s32 $0x48400, s2;
	s24 =	simm.s32 $0x2A0;
	[dreg:$0x7] =	wrdreg s20  }
0x17: {  	s25 =	simm.s32 $0xAA0;
	s2 =	simm.s32 $0xD40;
	[dreg:$0x8] =	wrdreg s21  }
0x18: {  	[dreg:$0x9] =	wrdreg s22;
	s19 =	simm.s32 $0x800;
	s20 =	simm.s32 $0xE0  }
0x19: {  	v0 =	vimm.f32 $0.0e+00;
	s21 =	simm.s32 $0x1;
	s22 =	simm.s32 $0x1C0;
	s7 =	simm.s32 $0x700  }
.LBB2_1:
0x1a: {  	s11 =	simm.s32 $0x0;
	s13 =	simm.s32 $0x200  }
.LBB2_2:
0x1b: {  	p0 =	sne.s32 s13, $0x1BE00;
	[tilespmem:s11+$0x1070] =	vst v0  }
0x1c: {  	[tilespmem:s11+$0x1000] =	vst v0  }
0x1d: {  	[tilespmem:s11+$0x1010] =	vst v0  }
.Ltmp0:
0x1e: {  	[tilespmem:s11+$0x1020] =	vst v0;
	(pc) =	sbr.rel @p0 .LBB2_2-.Ltmp0, $4  }
0x1f: {  	[tilespmem:s11+$0x1030] =	vst v0  }
0x20: {  	[tilespmem:s11+$0x1040] =	vst v0  }
0x21: {  	[tilespmem:s11+$0x1050] =	vst v0  }
0x22: {  	[tilespmem:s11+$0x1060] =	vst v0;
	s11 =	sshra.s32 s13, $0x2;
	s13 =	sadd.s32 $0x200, s13  }
0x23: {  	[tilespmem:s11+$0x1070] =	vst v0  }
0x24: {  	[tilespmem:s11+$0x1000] =	vst v0  }
0x25: {  	[tilespmem:s11+$0x1010] =	vst v0  }
0x26: {  	[tilespmem:s11+$0x1020] =	vst v0  }
0x27: {  	[tilespmem:s11+$0x1030] =	vst v0  }
0x28: {  	[tilespmem:s11+$0x1040] =	vst v0  }
0x29: {  	[tilespmem:s11+$0x1050] =	vst v0  }
0x2a: {  	[tilespmem:s11+$0x1060] =	vst v0  }
0x2b: {  	[spmem:s5] =	stream.linear.scatter [tilespmem:s15], [sflag:$0x2], $0x4000, $0x38;
	[tilespmem:$0x1BC00] =	vst v63  }
0x2c: {  	_ =	swait.ge [sflag:s16], $0x4000  }
0x2d: {  	[sflag:s16] =	ssyncset.done $0x0  }
0x2e: {  	s14 =	rddreg [dreg:$0x5];
	[sflag:s16] =	ssyncadd.s32 $0xFFFFC000  }
0x2f: {  	[spmem:s14] =	stream.linear.scatter [tilespmem:s15], [sflag:$0x2], $0x4000, $0x38;
	[tilespmem:$0x1BC00] =	vst v63  }
0x30: {  	_ =	swait.ge [sflag:s16], $0x4000  }
0x31: {  	[sflag:s16] =	ssyncset.done $0x0  }
0x32: {  	s12 =	rddreg [dreg:$0x6];
	[sflag:s16] =	ssyncadd.s32 $0xFFFFC000  }
0x33: {  	[spmem:s12] =	stream.linear.scatter [tilespmem:s15], [sflag:$0x2], $0x4000, $0x38;
	[tilespmem:$0x1BC00] =	vst v63  }
0x34: {  	_ =	swait.ge [sflag:s16], $0x4000  }
0x35: {  	[sflag:s16] =	ssyncset.done $0x0  }
0x36: {  	s13 =	rddreg [dreg:$0x7];
	[sflag:s16] =	ssyncadd.s32 $0xFFFFC000  }
0x37: {  	[spmem:s13] =	stream.linear.scatter [tilespmem:s15], [sflag:$0x2], $0x4000, $0x38;
	[tilespmem:$0x1BC00] =	vst v63  }
0x38: {  	_ =	swait.ge [sflag:s16], $0x4000  }
0x39: {  	[sflag:s16] =	ssyncset.done $0x0  }
0x3a: {  	s14 =	rddreg [dreg:$0x8];
	[sflag:s16] =	ssyncadd.s32 $0xFFFFC000  }
0x3b: {  	[spmem:s14] =	stream.linear.scatter [tilespmem:s15], [sflag:$0x2], $0x3C00, $0x38;
	[tilespmem:$0x1BC00] =	vst v63  }
0x3c: {  	_ =	swait.ge [sflag:s16], $0x3C00  }
0x3d: {  	[sflag:s16] =	ssyncset.done $0x0  }
0x3e: {  	[sflag:s16] =	ssyncadd.s32 $0xFFFFC400  }
0x3f: {  	[bflag:$0x0] =	sbarrier.arrive $0xFFFF  }
0x40: {  	s14 =	rddreg [dreg:$0xc]  }
0x41: {  	[tilespmem:s4], [sflag:$0x2] =	stream.strided.gather [hbm4b:s14+s17], $0x800, s18, s17, $0x38;
	[tilespmem:$0x1BC00] =	vst v63  }
0x42: {  	_ =	swait.ge [sflag:s16], $0x800  }
0x43: {  	[sflag:s16] =	ssyncset.done $0x0  }
0x44: {  	s13 =	rddreg [dreg:$0xb];
	[sflag:s16] =	ssyncadd.s32 $0xFFFFF800  }
0x45: {  	[tilespmem:s19], [sflag:$0x2] =	stream.strided.gather [hbm4b:s13+s17], $0x800, s18, s17, $0x38;
	[tilespmem:$0x1BC00] =	vst v63  }
0x46: {  	_ =	swait.ge [sflag:s16], $0x800  }
0x47: {  	[sflag:s16] =	ssyncset.done $0x0  }
0x48: {  	[sflag:s16] =	ssyncadd.s32 $0xFFFFF800  }
0x49: {  	[tilespmem:s15], [sflag:$0x1] =	stream.indirect.gather [hbm4b:s1+s20], $0x80, s4, s20, $0xb8;
	[tilespmem:$0x1BC00] =	vst v63  }
0x4a: {  	_ =	swait.ge [sflag:s21], $0x7000  }
0x4b: {  	[sflag:s21] =	ssyncset.done $0x0  }
0x4c: {  	[sflag:s21] =	ssyncadd.s32 $0xFFFF9000  }
0x4d: {  	[spmem:s3] =	stream.indirect.scatter.add.f32 [tilespmem:s15], [sflag:$0x2], $0x80, s19, s20, $0xb8;
	[tilespmem:$0x1BC00] =	vst v63  }
0x4e: {  	_ =	swait.ge [sflag:s16], $0x7000  }
0x4f: {  	[sflag:s16] =	ssyncset.done $0x0  }
0x50: {  	[sflag:s16] =	ssyncadd.s32 $0xFFFF9000  }
0x51: {  	[tilespmem:s15], [sflag:$0x1] =	stream.indirect.gather [hbm4b:s1+s20], $0x80, s20, s20, $0xb8;
	[tilespmem:$0x1BC00] =	vst v63  }
0x52: {  	_ =	swait.ge [sflag:s21], $0x7000  }
0x53: {  	[sflag:s21] =	ssyncset.done $0x0  }
0x54: {  	s12 =	rddreg [dreg:$0x4];
	[sflag:s21] =	ssyncadd.s32 $0xFFFF9000  }
0x55: {  	[spmem:s3] =	stream.indirect.scatter.add.f32 [tilespmem:s15], [sflag:$0x2], $0x80, s12, s20, $0xb8;
	[tilespmem:$0x1BC00] =	vst v63  }
0x56: {  	_ =	swait.ge [sflag:s16], $0x7000  }
0x57: {  	[sflag:s16] =	ssyncset.done $0x0  }
0x58: {  	[sflag:s16] =	ssyncadd.s32 $0xFFFF9000  }
0x59: {  	[tilespmem:s15], [sflag:$0x1] =	stream.indirect.gather [hbm4b:s1+s20], $0x80, s22, s20, $0xb8;
	[tilespmem:$0x1BC00] =	vst v63  }
0x5a: {  	_ =	swait.ge [sflag:s21], $0x7000  }
0x5b: {  	[sflag:s21] =	ssyncset.done $0x0  }
0x5c: {  	[sflag:s21] =	ssyncadd.s32 $0xFFFF9000  }
0x5d: {  	[spmem:s3] =	stream.indirect.scatter.add.f32 [tilespmem:s15], [sflag:$0x2], $0x80, s23, s20, $0xb8;
	[tilespmem:$0x1BC00] =	vst v63  }
0x5e: {  	_ =	swait.ge [sflag:s16], $0x7000  }
0x5f: {  	[sflag:s16] =	ssyncset.done $0x0  }
0x60: {  	[sflag:s16] =	ssyncadd.s32 $0xFFFF9000  }
0x61: {  	[tilespmem:s15], [sflag:$0x1] =	stream.indirect.gather [hbm4b:s1+s20], $0x80, s24, s20, $0xb8;
	[tilespmem:$0x1BC00] =	vst v63  }
0x62: {  	_ =	swait.ge [sflag:s21], $0x7000  }
0x63: {  	[sflag:s21] =	ssyncset.done $0x0  }
0x64: {  	[sflag:s21] =	ssyncadd.s32 $0xFFFF9000  }
0x65: {  	[spmem:s3] =	stream.indirect.scatter.add.f32 [tilespmem:s15], [sflag:$0x2], $0x80, s25, s20, $0xb8;
	[tilespmem:$0x1BC00] =	vst v63  }
0x66: {  	_ =	swait.ge [sflag:s16], $0x7000  }
0x67: {  	[sflag:s16] =	ssyncset.done $0x0  }
0x68: {  	[sflag:s16] =	ssyncadd.s32 $0xFFFF9000  }
0x69: {  	[tilespmem:s15], [sflag:$0x1] =	stream.indirect.gather [hbm4b:s1+s20], $0x80, s26, s20, $0xb8;
	[tilespmem:$0x1BC00] =	vst v63  }
0x6a: {  	_ =	swait.ge [sflag:s21], $0x7000  }
0x6b: {  	[sflag:s21] =	ssyncset.done $0x0  }
0x6c: {  	[sflag:s21] =	ssyncadd.s32 $0xFFFF9000  }
0x6d: {  	[spmem:s3] =	stream.indirect.scatter.add.f32 [tilespmem:s15], [sflag:$0x2], $0x80, s28, s20, $0xb8;
	[tilespmem:$0x1BC00] =	vst v63  }
0x6e: {  	_ =	swait.ge [sflag:s16], $0x7000  }
0x6f: {  	[sflag:s16] =	ssyncset.done $0x0  }
0x70: {  	[sflag:s16] =	ssyncadd.s32 $0xFFFF9000  }
0x71: {  	[tilespmem:s15], [sflag:$0x1] =	stream.indirect.gather [hbm4b:s1+s20], $0x80, s29, s20, $0xb8;
	[tilespmem:$0x1BC00] =	vst v63  }
0x72: {  	_ =	swait.ge [sflag:s21], $0x7000  }
0x73: {  	[sflag:s21] =	ssyncset.done $0x0  }
0x74: {  	[sflag:s21] =	ssyncadd.s32 $0xFFFF9000  }
0x75: {  	[spmem:s3] =	stream.indirect.scatter.add.f32 [tilespmem:s15], [sflag:$0x2], $0x80, s30, s20, $0xb8;
	[tilespmem:$0x1BC00] =	vst v63  }
0x76: {  	_ =	swait.ge [sflag:s16], $0x7000  }
0x77: {  	[sflag:s16] =	ssyncset.done $0x0  }
0x78: {  	[sflag:s16] =	ssyncadd.s32 $0xFFFF9000  }
0x79: {  	[tilespmem:s15], [sflag:$0x1] =	stream.indirect.gather [hbm4b:s1+s20], $0x80, s31, s20, $0xb8;
	[tilespmem:$0x1BC00] =	vst v63  }
0x7a: {  	_ =	swait.ge [sflag:s21], $0x7000  }
0x7b: {  	[sflag:s21] =	ssyncset.done $0x0  }
0x7c: {  	[sflag:s21] =	ssyncadd.s32 $0xFFFF9000  }
0x7d: {  	[spmem:s3] =	stream.indirect.scatter.add.f32 [tilespmem:s15], [sflag:$0x2], $0x80, s2, s20, $0xb8;
	[tilespmem:$0x1BC00] =	vst v63  }
0x7e: {  	_ =	swait.ge [sflag:s16], $0x7000  }
0x7f: {  	[sflag:s16] =	ssyncset.done $0x0  }
0x80: {  	[sflag:s16] =	ssyncadd.s32 $0xFFFF9000  }
0x81: {  	[tilespmem:s15], [sflag:$0x1] =	stream.indirect.gather [hbm4b:s1+s20], $0x80, s0, s20, $0xb8;
	[tilespmem:$0x1BC00] =	vst v63  }
0x82: {  	_ =	swait.ge [sflag:s21], $0x7000  }
0x83: {  	[sflag:s21] =	ssyncset.done $0x0  }
0x84: {  	[sflag:s21] =	ssyncadd.s32 $0xFFFF9000  }
0x85: {  	[spmem:s3] =	stream.indirect.scatter.add.f32 [tilespmem:s15], [sflag:$0x2], $0x80, s6, s20, $0xb8;
	[tilespmem:$0x1BC00] =	vst v63  }
0x86: {  	_ =	swait.ge [sflag:s16], $0x7000  }
0x87: {  	[sflag:s16] =	ssyncset.done $0x0  }
0x88: {  	[sflag:s16] =	ssyncadd.s32 $0xFFFF9000  }
0x89: {  	[tilespmem:s15], [sflag:$0x1] =	stream.indirect.gather [hbm4b:s1+s20], $0x80, s7, s20, $0xb8;
	[tilespmem:$0x1BC00] =	vst v63  }
0x8a: {  	p0 =	sne.s32 s9, $0x1;
	_ =	swait.ge [sflag:s21], $0x7000  }
.Ltmp1:
0x8b: {  	[sflag:s21] =	ssyncset.done $0x0;
	(pc) =	sbr.rel @!p0 .LBB2_5-.Ltmp1, $4  }
0x8c: {  	[sflag:s21] =	ssyncadd.s32 $0xFFFF9000  }
0x8d: {  	[spmem:s3] =	stream.indirect.scatter.add.f32 [tilespmem:s15], [sflag:$0x2], $0x80, s8, s20, $0xb8;
	[tilespmem:$0x1BC00] =	vst v63  }
0x8e: {  	_ =	swait.ge [sflag:s16], $0x7000  }
0x8f: {  	s11 =	sadd.s32 $0xFFFFFFFF, s9;
	[sflag:s16] =	ssyncset.done $0x0  }
.LBB2_4:
0x90: {  	[sflag:s16] =	ssyncadd.s32 $0xFFFF9000;
	s14 =	sadd.s32 $0x1000, s14  }
0x91: {  	[tilespmem:s4], [sflag:$0x2] =	stream.strided.gather [hbm4b:s14+s17], $0x800, s18, s17, $0x38;
	[tilespmem:$0x1BC00] =	vst v63  }
0x92: {  	_ =	swait.ge [sflag:s16], $0x800  }
0x93: {  	[sflag:s16] =	ssyncset.done $0x0  }
0x94: {  	s13 =	sadd.s32 $0x1000, s13;
	[sflag:s16] =	ssyncadd.s32 $0xFFFFF800  }
0x95: {  	[tilespmem:s19], [sflag:$0x2] =	stream.strided.gather [hbm4b:s13+s17], $0x800, s18, s17, $0x38;
	[tilespmem:$0x1BC00] =	vst v63  }
0x96: {  	_ =	swait.ge [sflag:s16], $0x800  }
0x97: {  	[sflag:s16] =	ssyncset.done $0x0  }
0x98: {  	[sflag:s16] =	ssyncadd.s32 $0xFFFFF800  }
0x99: {  	[tilespmem:s15], [sflag:$0x1] =	stream.indirect.gather [hbm4b:s1+s20], $0x80, s4, s20, $0xb8;
	[tilespmem:$0x1BC00] =	vst v63  }
0x9a: {  	_ =	swait.ge [sflag:s21], $0x7000  }
0x9b: {  	[sflag:s21] =	ssyncset.done $0x0  }
0x9c: {  	[sflag:s21] =	ssyncadd.s32 $0xFFFF9000  }
0x9d: {  	[spmem:s3] =	stream.indirect.scatter.add.f32 [tilespmem:s15], [sflag:$0x2], $0x80, s19, s20, $0xb8;
	[tilespmem:$0x1BC00] =	vst v63  }
0x9e: {  	_ =	swait.ge [sflag:s16], $0x7000  }
0x9f: {  	[sflag:s16] =	ssyncset.done $0x0  }
0xa0: {  	[sflag:s16] =	ssyncadd.s32 $0xFFFF9000  }
0xa1: {  	[tilespmem:s15], [sflag:$0x1] =	stream.indirect.gather [hbm4b:s1+s20], $0x80, s20, s20, $0xb8;
	[tilespmem:$0x1BC00] =	vst v63  }
0xa2: {  	_ =	swait.ge [sflag:s21], $0x7000  }
0xa3: {  	[sflag:s21] =	ssyncset.done $0x0  }
0xa4: {  	s12 =	rddreg [dreg:$0x4];
	[sflag:s21] =	ssyncadd.s32 $0xFFFF9000  }
0xa5: {  	[spmem:s3] =	stream.indirect.scatter.add.f32 [tilespmem:s15], [sflag:$0x2], $0x80, s12, s20, $0xb8;
	[tilespmem:$0x1BC00] =	vst v63  }
0xa6: {  	_ =	swait.ge [sflag:s16], $0x7000  }
0xa7: {  	[sflag:s16] =	ssyncset.done $0x0  }
0xa8: {  	[sflag:s16] =	ssyncadd.s32 $0xFFFF9000  }
0xa9: {  	[tilespmem:s15], [sflag:$0x1] =	stream.indirect.gather [hbm4b:s1+s20], $0x80, s22, s20, $0xb8;
	[tilespmem:$0x1BC00] =	vst v63  }
0xaa: {  	_ =	swait.ge [sflag:s21], $0x7000  }
0xab: {  	[sflag:s21] =	ssyncset.done $0x0  }
0xac: {  	[sflag:s21] =	ssyncadd.s32 $0xFFFF9000  }
0xad: {  	[spmem:s3] =	stream.indirect.scatter.add.f32 [tilespmem:s15], [sflag:$0x2], $0x80, s23, s20, $0xb8;
	[tilespmem:$0x1BC00] =	vst v63  }
0xae: {  	_ =	swait.ge [sflag:s16], $0x7000  }
0xaf: {  	[sflag:s16] =	ssyncset.done $0x0  }
0xb0: {  	[sflag:s16] =	ssyncadd.s32 $0xFFFF9000  }
0xb1: {  	[tilespmem:s15], [sflag:$0x1] =	stream.indirect.gather [hbm4b:s1+s20], $0x80, s24, s20, $0xb8;
	[tilespmem:$0x1BC00] =	vst v63  }
0xb2: {  	_ =	swait.ge [sflag:s21], $0x7000  }
0xb3: {  	[sflag:s21] =	ssyncset.done $0x0  }
0xb4: {  	[sflag:s21] =	ssyncadd.s32 $0xFFFF9000  }
0xb5: {  	[spmem:s3] =	stream.indirect.scatter.add.f32 [tilespmem:s15], [sflag:$0x2], $0x80, s25, s20, $0xb8;
	[tilespmem:$0x1BC00] =	vst v63  }
0xb6: {  	_ =	swait.ge [sflag:s16], $0x7000  }
0xb7: {  	[sflag:s16] =	ssyncset.done $0x0  }
0xb8: {  	[sflag:s16] =	ssyncadd.s32 $0xFFFF9000  }
0xb9: {  	[tilespmem:s15], [sflag:$0x1] =	stream.indirect.gather [hbm4b:s1+s20], $0x80, s26, s20, $0xb8;
	[tilespmem:$0x1BC00] =	vst v63  }
0xba: {  	_ =	swait.ge [sflag:s21], $0x7000  }
0xbb: {  	[sflag:s21] =	ssyncset.done $0x0  }
0xbc: {  	[sflag:s21] =	ssyncadd.s32 $0xFFFF9000  }
0xbd: {  	[spmem:s3] =	stream.indirect.scatter.add.f32 [tilespmem:s15], [sflag:$0x2], $0x80, s28, s20, $0xb8;
	[tilespmem:$0x1BC00] =	vst v63  }
0xbe: {  	_ =	swait.ge [sflag:s16], $0x7000  }
0xbf: {  	[sflag:s16] =	ssyncset.done $0x0  }
0xc0: {  	[sflag:s16] =	ssyncadd.s32 $0xFFFF9000  }
0xc1: {  	[tilespmem:s15], [sflag:$0x1] =	stream.indirect.gather [hbm4b:s1+s20], $0x80, s29, s20, $0xb8;
	[tilespmem:$0x1BC00] =	vst v63  }
0xc2: {  	_ =	swait.ge [sflag:s21], $0x7000  }
0xc3: {  	[sflag:s21] =	ssyncset.done $0x0  }
0xc4: {  	[sflag:s21] =	ssyncadd.s32 $0xFFFF9000  }
0xc5: {  	[spmem:s3] =	stream.indirect.scatter.add.f32 [tilespmem:s15], [sflag:$0x2], $0x80, s30, s20, $0xb8;
	[tilespmem:$0x1BC00] =	vst v63  }
0xc6: {  	_ =	swait.ge [sflag:s16], $0x7000  }
0xc7: {  	[sflag:s16] =	ssyncset.done $0x0  }
0xc8: {  	[sflag:s16] =	ssyncadd.s32 $0xFFFF9000  }
0xc9: {  	[tilespmem:s15], [sflag:$0x1] =	stream.indirect.gather [hbm4b:s1+s20], $0x80, s31, s20, $0xb8;
	[tilespmem:$0x1BC00] =	vst v63  }
0xca: {  	_ =	swait.ge [sflag:s21], $0x7000  }
0xcb: {  	[sflag:s21] =	ssyncset.done $0x0  }
0xcc: {  	[sflag:s21] =	ssyncadd.s32 $0xFFFF9000  }
0xcd: {  	[spmem:s3] =	stream.indirect.scatter.add.f32 [tilespmem:s15], [sflag:$0x2], $0x80, s2, s20, $0xb8;
	[tilespmem:$0x1BC00] =	vst v63  }
0xce: {  	_ =	swait.ge [sflag:s16], $0x7000  }
0xcf: {  	[sflag:s16] =	ssyncset.done $0x0  }
0xd0: {  	[sflag:s16] =	ssyncadd.s32 $0xFFFF9000  }
0xd1: {  	[tilespmem:s15], [sflag:$0x1] =	stream.indirect.gather [hbm4b:s1+s20], $0x80, s0, s20, $0xb8;
	[tilespmem:$0x1BC00] =	vst v63  }
0xd2: {  	_ =	swait.ge [sflag:s21], $0x7000  }
0xd3: {  	[sflag:s21] =	ssyncset.done $0x0  }
0xd4: {  	[sflag:s21] =	ssyncadd.s32 $0xFFFF9000  }
0xd5: {  	[spmem:s3] =	stream.indirect.scatter.add.f32 [tilespmem:s15], [sflag:$0x2], $0x80, s6, s20, $0xb8;
	[tilespmem:$0x1BC00] =	vst v63  }
0xd6: {  	_ =	swait.ge [sflag:s16], $0x7000  }
0xd7: {  	[sflag:s16] =	ssyncset.done $0x0  }
0xd8: {  	[sflag:s16] =	ssyncadd.s32 $0xFFFF9000  }
0xd9: {  	[tilespmem:s15], [sflag:$0x1] =	stream.indirect.gather [hbm4b:s1+s20], $0x80, s7, s20, $0xb8;
	[tilespmem:$0x1BC00] =	vst v63  }
0xda: {  	p0 =	sne.s32 s11, $0x1;
	_ =	swait.ge [sflag:s21], $0x7000  }
.Ltmp2:
0xdb: {  	[sflag:s21] =	ssyncset.done $0x0;
	(pc) =	sbr.rel @p0 .LBB2_4-.Ltmp2, $4  }
0xdc: {  	[sflag:s21] =	ssyncadd.s32 $0xFFFF9000  }
0xdd: {  	[spmem:s3] =	stream.indirect.scatter.add.f32 [tilespmem:s15], [sflag:$0x2], $0x80, s8, s20, $0xb8;
	[tilespmem:$0x1BC00] =	vst v63  }
0xde: {  	_ =	swait.ge [sflag:s16], $0x7000  }
0xdf: {  	s11 =	sadd.s32 $0xFFFFFFFF, s11;
	[sflag:s16] =	ssyncset.done $0x0  }
.LBB2_5:
0xe0: {  	[sflag:s16] =	ssyncadd.s32 $0xFFFF9000;
	s11 =	stileid.u32  }
0xe1: {  	s11 =	sshll.u32 s11, $0x6;
	[bflag:$0x0] =	sbarrier.arrive $0xFFFF  }
0xe2: {  	s12 =	sshrl.u32 s5, $0x3;
	s11 =	sor.u32 $0x1C02, s11;
	s13 =	rddreg [dreg:$0x9]  }
0xe3: {  	[hbm:s13], [sflag:s11] =	dma.local [spmem:s12], $0x2780  }
0xe4: {  	_ =	swait.ge [sflag:s16], $0x2780  }
0xe5: {  	s10 =	sadd.s32 $0x1, s10;
	s14 =	rddreg [dreg:$0xa]  }
0xe6: {  	p0 =	sne.s32 s10, s14  }
.Ltmp3:
0xe7: {  	_ = 	snop;
	(pc) =	sbr.rel @p0 .LBB2_1-.Ltmp3, $3  }
0xe8: {  	_ =	sdelay $0x1  }
0xe9: {  	[sflag:s16] =	ssyncset.done $0x0  }
0xea: {  	[sflag:s16] =	ssyncadd.s32 $0xFFFFD880  }
0xeb: {  	_ =	sfence.sel $0x180000  }
0xec: {  	[bflag:$0x0] =	sbarrier.arrive $0xFFFF  }
0xed: {  	_ =	strace $0x9000004D  }
0xee: {  	s0 =	stileid.u32;
	[bflag:$0x2] =	sbarrier.arrive $0xFFFF  }
0xef: {  	p0 =	sne.s32 s0, $0x0;
	s0 =	rddreg [dreg:$0x3]  }
0xf0: {  	s0 =	sadd.s32 @!p0 $0x100000, s0  }
0xf1: {  	[sflag:s0] =	ssyncadd.tile.s32 @!p0 $0x1;
	_ =	shalt  }
.Lfunc_end2:
_tile_overlayer_lowered:
.L_overlay_start_2:
0xf2: {  	(tag) =	ssettag $0x2  }
0xf3: {  	s0 =	rddreg [dreg:$0x0];
	s2 =	stileid.u32  }
0xf4: {  	s1 =	rddreg [dreg:$0x1];
	p0 =	sne.s32 s2, $0x0  }
0xf5: {  	s3 =	rddreg [dreg:$0x2];
	[bflag:$0x3] =	sbarrier.arrive $0xFFFF;
	s2 =	simm.s32 @!p0 $0x1C02  }
0xf6: {  	[timem:s3], [sflag:s2] =	dma.local @!p0 [hbm:s0], s1  }
0xf7: {  	s0 =	simm.s32 @!p0 $0x2  }
0xf8: {  	_ =	swait.ge @!p0 [sflag:s0], s1  }
0xf9: {  	s1 =	ssub.s32 @!p0 $0x0, s1;
	[sflag:s0] =	ssyncset.done @!p0 $0x0  }
0xfa: {  	[sflag:s0] =	ssyncadd.s32 @!p0 s1  }
0xfb: {  	[bflag:$0x3] =	sbarrier.arrive $0xFFFF  }
0xfc: {  	_ =	shalt  }

// kernel: kernel.8.cloned.1.call-start
scs
__scs_entry_jumppad:
0x0: {  	(pc) =	sbr.rel $0x88, $3  }
0x1: {  	(tag) =	ssettag $0x0;
	lr =	simm.s32 $0x1  }
0x2: {  	[smem:$0x3F97] =	sst lr;
	_ =	strace $0xD0000000  }
0x3: {  	_ = 	snop  }
0x4: {  	_ = 	snop  }
0x5: {  	_ = 	snop  }
0x6: {  	_ = 	snop  }
0x7: {  	_ = 	snop  }
__scs_overlays_trampoline_lowered:
0x8: {  	[smem:$0x3FA6] =	sst s0  }
0x9: {  	[smem:$0x3FA7] =	sst s1  }
0xa: {  	[smem:$0x3FA8] =	sst s2  }
0xb: {  	[smem:$0x3FA9] =	sst s3  }
0xc: {  	[smem:$0x3FAA] =	sst s4  }
0xd: {  	[smem:$0x3FAB] =	sst s5  }
0xe: {  	[smem:$0x3FAC] =	sst s6  }
0xf: {  	[smem:$0x3FAD] =	sst s7  }
0x10: {  	[smem:$0x3FAE] =	sst s8  }
0x11: {  	[smem:$0x3FAF] =	sst s9;
	s0 =	simm.s32 @!p0 $0x0  }
0x12: {  	s1 =	sld [smem:$0x3F95];
	s0 =	simm.s32 @p0 $0x1  }
0x13: {  	[smem:$0x3FB0] =	sst s0;
	s0 =	simm.s32 @!p1 $0x0  }
0x14: {  	s2 =	sld [smem:$0x3F94];
	s0 =	simm.s32 @p1 $0x1  }
0x15: {  	[smem:$0x3FB1] =	sst s0;
	s0 =	simm.s32 @!p2 $0x0  }
0x16: {  	s3 =	sld [smem:$0x3FDB];
	s0 =	simm.s32 @p2 $0x1  }
0x17: {  	s4 =	simm.s32 $0x1BF5;
	[smem:$0x3FB3] =	sst s0  }
0x18: {  	s0 =	sld [smem:$0x3F96];
	_ =	swait.ge [sflag:s4], $0x0  }
0x19: {  	s7 =	sld [smem:$0x3F97]  }
0x1a: {  	s8 =	sadd.s32 $0xFFFFE003, lr  }
0x1b: {  	s9 =	sadd.s32 $0xFFFFFEF7, lr;
	s5 =	simm.s32 $0xFFFFFFFF;
	p2 =	slt.u32 s8, $0xFFFFF086  }
0x1c: {  	p1 =	slt.u32 s9, $0xF7A;
	s5 =	simm.s32 @!p2 $0x0  }
0x1d: {  	s5 =	simm.s32 @p1 $0x1;
	p0 =	seq.s32 s7, s2  }
0x1e: {  	s7 =	smul.u32 @!p0 $0xF7A, s2;
	p2 =	seq.s32 @!p0 s5, $0x0  }
0x1f: {  	s9 =	smul.u32 $0xF7A, s1;
	s8 =	simm.s32 @!p0 $0x1BF5;
	p2 =	por !p2, p0  }
0x20: {  	[sflag:s8] =	ssyncset.s32 @!p0 $0xFFFFF086;
	s6 =	sadd.s32 @!p0 s3, s7;
	s7 =	simm.s32 @!p0 $0x108  }
0x21: {  	s3 =	sadd.s32 s3, s9;
	s6 =	sadd.s32 @!p0 $0x88, s6;
	s7 =	simm.s32 @p2 $0x1082  }
0x22: {  	[simem:s7], [sflag:s8] =	dma.local @!p0 [hbm:s6], $0xF7A  }
0x23: {  	s9 =	sor.u32 $0xD0000000, s2;
	s6 =	simm.s32 $0x108;
	_ =	swait.ge @!p0 [sflag:s8], $0x0  }
0x24: {  	s3 =	sadd.s32 $0x88, s3;
	s6 =	simm.s32 @!p1 $0x1082;
	[sflag:s4] =	ssyncset.s32 $0xFFFFF086  }
0x25: {  	[simem:s6], [sflag:s4] =	dma.local [hbm:s3], $0xF7A  }
0x26: {  	[smem:$0x3F97] =	sst s1;
	(tag) =	ssettag s2;
	_ =	strace s9  }
0x27: {  	s1 =	sld [smem:$0x3FA7]  }
0x28: {  	s2 =	sld [smem:$0x3FA8]  }
0x29: {  	s4 =	sld [smem:$0x3FAA]  }
0x2a: {  	p0 =	seq.s32 s5, $0x0;
	s5 =	sld [smem:$0x3FAB]  }
0x2b: {  	s6 =	sld [smem:$0x3FAC]  }
0x2c: {  	s7 =	sld [smem:$0x3FAD]  }
0x2d: {  	s3 =	simm.s32 $0x108;
	s8 =	sld [smem:$0x3FAE]  }
0x2e: {  	s3 =	simm.s32 @!p0 $0x1082;
	s9 =	sld [smem:$0x3FAF]  }
0x2f: {  	lr =	sadd.s32 s0, s3;
	s0 =	sld [smem:$0x3FA6]  }
0x30: {  	s3 =	sld [smem:$0x3FA9]  }
0x31: {  	[smem:$0x3FB2] =	sst s10  }
0x32: {  	s10 =	sld [smem:$0x3FB0];
	_ =	sdelay $0x3  }
0x33: {  	p0 =	seq.s32 s10, $0x1;
	s10 =	sld [smem:$0x3FB2];
	_ =	sdelay $0x3  }
0x34: {  	[smem:$0x3FB2] =	sst s10  }
0x35: {  	s10 =	sld [smem:$0x3FB1];
	_ =	sdelay $0x3  }
0x36: {  	p1 =	seq.s32 s10, $0x1;
	s10 =	sld [smem:$0x3FB2];
	_ =	sdelay $0x3  }
0x37: {  	[smem:$0x3FB2] =	sst s10  }
0x38: {  	s10 =	sld [smem:$0x3FB3]  }
0x39: {  	_ = 	snop;
	(pc) =	sbr.ind lr, $3  }
0x3a: {  	_ = 	snop  }
0x3b: {  	_ = 	snop  }
0x3c: {  	p2 =	seq.s32 s10, $0x1;
	s10 =	sld [smem:$0x3FB2]  }
0x3d: {  	_ =	shalt  }
0x3e: {  	_ =	shalt  }
0x3f: {  	_ =	shalt  }
0x40: {  	_ =	shalt  }
0x41: {  	_ =	shalt  }
0x42: {  	_ =	shalt  }
0x43: {  	_ =	shalt  }
0x44: {  	_ =	shalt  }
0x45: {  	_ =	shalt  }
0x46: {  	_ =	shalt  }
0x47: {  	_ =	shalt  }
0x48: {  	_ =	shalt  }
0x49: {  	_ =	shalt  }
0x4a: {  	_ =	shalt  }
0x4b: {  	_ =	shalt  }
0x4c: {  	_ =	shalt  }
0x4d: {  	_ =	shalt  }
0x4e: {  	_ =	shalt  }
0x4f: {  	_ =	shalt  }
0x50: {  	_ =	shalt  }
0x51: {  	_ =	shalt  }
0x52: {  	_ =	shalt  }
0x53: {  	_ =	shalt  }
0x54: {  	_ =	shalt  }
0x55: {  	_ =	shalt  }
0x56: {  	_ =	shalt  }
0x57: {  	_ =	shalt  }
0x58: {  	_ =	shalt  }
0x59: {  	_ =	shalt  }
0x5a: {  	_ =	shalt  }
0x5b: {  	_ =	shalt  }
0x5c: {  	_ =	shalt  }
0x5d: {  	_ =	shalt  }
0x5e: {  	_ =	shalt  }
0x5f: {  	_ =	shalt  }
0x60: {  	_ =	shalt  }
0x61: {  	_ =	shalt  }
0x62: {  	_ =	shalt  }
0x63: {  	_ =	shalt  }
0x64: {  	_ =	shalt  }
0x65: {  	_ =	shalt  }
0x66: {  	_ =	shalt  }
0x67: {  	_ =	shalt  }
0x68: {  	_ =	shalt  }
0x69: {  	_ =	shalt  }
0x6a: {  	_ =	shalt  }
0x6b: {  	_ =	shalt  }
0x6c: {  	_ =	shalt  }
0x6d: {  	_ =	shalt  }
0x6e: {  	_ =	shalt  }
0x6f: {  	_ =	shalt  }
0x70: {  	_ =	shalt  }
0x71: {  	_ =	shalt  }
0x72: {  	_ =	shalt  }
0x73: {  	_ =	shalt  }
0x74: {  	_ =	shalt  }
0x75: {  	_ =	shalt  }
0x76: {  	_ =	shalt  }
0x77: {  	_ =	shalt  }
0x78: {  	_ =	shalt  }
0x79: {  	_ =	shalt  }
0x7a: {  	_ =	shalt  }
0x7b: {  	_ =	shalt  }
0x7c: {  	_ =	shalt  }
0x7d: {  	_ =	shalt  }
0x7e: {  	_ =	shalt  }
0x7f: {  	_ =	shalt  }
0x80: {  	_ =	shalt  }
0x81: {  	_ =	shalt  }
0x82: {  	_ =	shalt  }
0x83: {  	_ =	shalt  }
0x84: {  	_ =	shalt  }
0x85: {  	_ =	shalt  }
0x86: {  	_ =	shalt  }
0x87: {  	_ =	shalt  }
.Lfunc_end0:
.L_simem_size_0:
called_computation_lowered:
.L_overlay_start_0:
0x88: {  	s2 =	sld [smem:$0x3FD9]  }
0x89: {  	s3 =	sld [smem:$0x3FFE];
	_ =	sdelay $0x1  }
0x8a: {  	s1 =	srdreg.scid  }
0x8b: {  	s0 =	sand.u32 $0x1, s1  }
0x8c: {  	s17 =	sshll.u32 s0, $0xA;
	s2 =	sadd.s32 s3, s2  }
0x8d: {  	s2 =	sadd.s32 s2, s17  }
0x8e: {  	[smem:$0x3FBE] =	sst s2  }
0x8f: {  	_ = 	snop  }
0x90: {  	s2 =	sld [smem:$0x3FD0];
	(tm) =	ssettm $0x1  }
0x91: {  	s18 =	sld [smem:$0x3FFB];
	_ =	sdelay $0x3  }
0x92: {  	_ =	strace s18  }
0x93: {  	s3 =	sld [smem:$0x3FFC];
	_ =	sdelay $0x3  }
0x94: {  	_ =	strace s3  }
0x95: {  	s3 =	sld [smem:$0x3FFD];
	_ =	sdelay $0x3  }
0x96: {  	_ =	strace s3  }
0x97: {  	_ =	strace $0x8FFFFFFF  }
0x98: {  	s19 =	sld [smem:$0x3FDB];
	_ =	sdelay $0x1  }
0x99: {  	s4 =	simm.s32 $_scs_section_size  }
0x9a: {  	s5 =	simm.s32 $_size__tile_overlayer_lowered;
	s6 =	simm.s32 $_tile_overlayer_lowered  }
0x9b: {  	s22 =	simm.s32 $0x1BFF;
	s21 =	sshll.u32 s6, $0x1;
	s3 =	sadd.s32 s4, s19  }
0x9c: {  	s7 =	simm.s32 $0x0;
	s20 =	sshll.u32 s5, $0x1;
	s5 =	sadd.s32 s21, s3  }
0x9d: {  	[timem:s7], [sflag:s22] =	dma.local [hbm:s5], s20  }
0x9e: {  	_ =	swait.ge [sflag:s22], s20  }
0x9f: {  	s4 =	ssub.s32 $0x0, s20;
	[sflag:s22] =	ssyncset.done $0x0  }
0xa0: {  	[sflag:s22] =	ssyncadd.s32 s4;
	_ =	sdelay $0x1  }
0xa1: {  	s23 =	simm.s32 $0x1B8B  }
0xa2: {  	_ =	swait.ge [sflag:s23], $0x1  }
0xa3: {  	[sflag:s23] =	ssyncset.done $0x0  }
0xa4: {  	s25 =	simm.s32 $0x1B8E;
	s24 =	sld [smem:$0x3FFE];
	[sflag:s23] =	ssyncadd.s32 $0xFFFFFFFF  }
0xa5: {  	s26 =	simm.s32 $execute0_lowered;
	[smem:$0x3FD2] =	sst s25  }
0xa6: {  	s5 =	sshll.u32 s26, $0x1;
	_ =	strace $0x80000046;
	[dreg:$0x1] =	wrdreg $0xFFFFFFFF  }
0xa7: {  	s28 =	simm.s32 $_size_execute0_lowered;
	s3 =	sadd.s32 s3, s5;
	[dreg:$0x0] =	wrdreg $0x0  }
0xa8: {  	s5 =	sshll.u32 s28, $0x1;
	[dreg:$0x2] =	wrdreg s3  }
0xa9: {  	[dreg:$0x3] =	wrdreg s5  }
0xaa: {  	[dreg:$0x4] =	wrdreg $0xC0  }
0xab: {  	_ =	task [dreg:s7], $0x5FFFF  }
0xac: {  	[dreg:$0x1] =	wrdreg $0xFFFFFFFF  }
0xad: {  	[dreg:$0x0] =	wrdreg $0x60  }
0xae: {  	[dreg:$0x2] =	wrdreg s2  }
0xaf: {  	[dreg:$0x3] =	wrdreg s24  }
0xb0: {  	[dreg:$0x4] =	wrdreg $0x9  }
0xb1: {  	_ =	task.clear_ibuf [dreg:s7], $0x5FFFF;
	_ =	strace $0x90000046  }
0xb2: {  	s29 =	simm.s32 $0x9;
	_ =	strace $0x80000048  }
0xb3: {  	_ =	swait.ge [sflag:s29], $0x1  }
0xb4: {  	[sflag:s29] =	ssyncadd.s32 $0xFFFFFFFF  }
0xb5: {  	_ =	strace $0x90000048  }
0xb6: {  	_ =	sfence  }
0xb7: {  	s30 =	sld [smem:$0x0];
	_ =	sdelay $0x2  }
0xb8: {  	s31 =	sshll.u32 s1, $0xD;
	s1 =	sshrl.u32 s1, $0x2  }
0xb9: {  	s3 =	sand.u32 $0x4000, s31;
	s1 =	sadd.s32 s1, s30  }
0xba: {  	s0 =	sor.u32 s3, s0;
	s1 =	sshll.u32 s1, $0x11  }
0xbb: {  	s0 =	sor.u32 s1, s0  }
0xbc: {  	s0 =	sadd.s32 $0x8F2B, s0  }
0xbd: {  	[sflag:s0] =	ssyncadd.remote.s32 $0x1  }
0xbe: {  	_ =	sfence.sel $0xFFFF  }
0xbf: {  	[dreg:$0x0] =	wrdreg $0xFFFFFFFF;
	(pc) =	sbr.abs _section_cstart, $3  }
0xc0: {  	[dreg:$0x1] =	wrdreg $0xFFFFFFFF  }
0xc1: {  	_ =	task.clear_ibuf [dreg:s7], $0x2FFFF;
	_ =	strace $0x9FFFFFFF  }
0xc2: {  	(tm) =	ssettm $0x7FFFFFFF  }
0xc3: {  	_ =	shalt  }
tec
execute0_lowered:
.L_overlay_start_1:
0x0: {  	(tag) =	ssettag $0x1  }
0x1: {  	s3 =	rddreg [dreg:$0x0]  }
0x2: {  	s4 =	rddreg [dreg:$0x1];
	s2 =	srdreg.scid  }
0x3: {  	s0 =	rddreg [dreg:$0x2];
	s1 =	stileid.u32  }
0x4: {  	s10 =	simm.s32 $0x0;
	s5 =	sand.u32 $0x1, s2;
	s7 =	sshrl.u32 s1, $0x3  }
0x5: {  	s2 =	simm.s32 $0x0;
	s9 =	sshll.u32 s1, $0x7;
	s6 =	smul.u32 $0x27800, s5  }
0x6: {  	s8 =	sshll.u32 s5, $0x4;
	s7 =	smul.u32 $0x13C00, s7;
	[smem:$0x7FF] =	sst s2  }
0x7: {  	s9 =	sand.u32 $0x380, s9;
	s5 =	ssub.s32 $0x2, s5;
	s8 =	sor.u32 s1, s8  }
0x8: {  	s31 =	sshrl.u32 s5, $0x1;
	s8 =	sshrl.u32 s8, $0x3;
	s6 =	sadd.s32 s6, s7  }
0x9: {  	s5 =	ssub.s32 s5, s31;
	s30 =	smul.u32 $0x13C00, s8;
	s6 =	sor.u32 s9, s6  }
0xa: {  	_ =	strace $0x80000047;
	s5 =	smax.u32 s5, $0x1;
	s6 =	sshrl.u32 s6, $0x3  }
0xb: {  	s8 =	simm.s32 $0x1;
	s7 =	sor.u32 s9, s30;
	s4 =	sadd.s32 s6, s4  }
0xc: {  	s6 =	simm.s32 $0x80;
	s9 =	simm.s32 $0x2780;
	s7 =	sshrl.u32 s7, $0x3  }
0xd: {  	v0 =	vimm.f32 $0.0e+00;
	v1 =	vimm.f32 $1.000000000e+00;
	s4 =	sadd.s32 $0x3400, s4;
	s3 =	sadd.s32 s3, s7;
	s7 =	simm.s32 $0x400  }
.LBB2_1:
0xe: {  	[tilespmem:s2], [sflag:$0x1] =	stream.strided.gather [hbm4b:s3+s6], $0x2780, s7, s6, $0x38;
	[tilespmem:$0x4F00] =	vst v63  }
0xf: {  	_ =	swait.ge [sflag:s8], $0x2780  }
0x10: {  	[sflag:s8] =	ssyncset.done $0x0  }
0x11: {  	s11 =	simm.s32 $0x0;
	[sflag:s8] =	ssyncadd.s32 $0xFFFFD880  }
.LBB2_2:
0x12: {  	p0 =	sne.s32 s11, $0x9DC0  }
.Ltmp0:
0x13: {  	_ = 	snop;
	(pc) =	sbr.rel @p0 .LBB2_2-.Ltmp0, $3  }
0x14: {  	_ =	sdelay $0x1  }
0x15: {  	s12 =	sshra.s32 s11, $0x2  }
0x16: {  	s11 =	sadd.s32 $0x40, s11;
	[tilespmem:s12+$0x2780] =	vst v0  }
0x17: {  	s12 =	simm.s32 $0x0;
	s11 =	simm.s32 $0x40  }
.LBB2_4:
0x18: {  	p0 =	sne.s32 s11, $0x9D40;
	v2 =	vld [tilespmem:s12+$0x0];
	_ =	sdelay $0x3  }
.Ltmp1:
0x19: {  	(pc) =	sbr.rel @p0 .LBB2_4-.Ltmp1, $2  }
0x1a: {  	_ =	sdelay $0x2  }
0x1b: {  	s12 =	sshra.s32 s11, $0x2;
	s11 =	sadd.s32 $0x40, s11;
	[tilespmem:v2+s9+$0x0] =	vst.idx.add.f32.msk $0xffff, v1  }
0x1c: {  	v2 =	vld [tilespmem:s12+$0x0];
	_ =	sdelay $0x5  }
0x1d: {  	s10 =	sadd.s32 $0x1, s10  }
0x1e: {  	p0 =	sne.s32 s10, s5  }
.Ltmp2:
0x1f: {  	[tilespmem:v2+s9+$0x0] =	vst.idx.add.f32.msk $0xffff, v1;
	(pc) =	sbr.rel @p0 .LBB2_1-.Ltmp2, $4  }
0x20: {  	[hbm4b:s4+s6] =	stream.strided.scatter [tilespmem:s9], [sflag:$0x1], $0x2780, s7, s6, $0x38;
	[tilespmem:$0x4F00] =	vst v63  }
0x21: {  	_ =	swait.ge [sflag:s8], $0x2780  }
0x22: {  	[sflag:s8] =	ssyncset.done $0x0  }
0x23: {  	[sflag:s8] =	ssyncadd.s32 $0xFFFFD880  }
0x24: {  	_ =	sfence.sel $0x180000  }
0x25: {  	[bflag:$0x0] =	sbarrier.arrive $0xFFFF  }
0x26: {  	p0 =	sne.s32 s1, $0x0;
	_ =	strace $0x90000047  }
0x27: {  	s0 =	sadd.s32 @!p0 $0x100000, s0;
	[bflag:$0x2] =	sbarrier.arrive $0xFFFF  }
0x28: {  	[sflag:s0] =	ssyncadd.tile.s32 @!p0 $0x1;
	_ =	shalt  }
.Lfunc_end2:
_tile_overlayer_lowered:
.L_overlay_start_2:
0x29: {  	(tag) =	ssettag $0x2  }
0x2a: {  	s0 =	rddreg [dreg:$0x0];
	s2 =	stileid.u32  }
0x2b: {  	s1 =	rddreg [dreg:$0x1];
	p0 =	sne.s32 s2, $0x0  }
0x2c: {  	s3 =	rddreg [dreg:$0x2];
	[bflag:$0x3] =	sbarrier.arrive $0xFFFF;
	s2 =	simm.s32 @!p0 $0x1C01  }
0x2d: {  	[timem:s3], [sflag:s2] =	dma.local @!p0 [hbm:s0], s1  }
0x2e: {  	s0 =	simm.s32 @!p0 $0x1  }
0x2f: {  	_ =	swait.ge @!p0 [sflag:s0], s1  }
0x30: {  	s1 =	ssub.s32 @!p0 $0x0, s1;
	[sflag:s0] =	ssyncset.done @!p0 $0x0  }
0x31: {  	[sflag:s0] =	ssyncadd.s32 @!p0 s1  }
0x32: {  	[bflag:$0x3] =	sbarrier.arrive $0xFFFF  }
0x33: {  	_ =	shalt  }

</sc_bundles>
